<compile_context>
chip_gen: v7x
topology: tpu7x:2x2x1
jax: 0.10.2.dev20260603
libtpu: 0.0.44.dev20260713+nightly
codegen_flags: <defaults>
</compile_context>

<pallas_src>
import functools

import jax
import jax.numpy as jnp
from jax import lax
from jax.experimental import pallas as pl
from jax.experimental.pallas import tpu as pltpu
from jax.experimental.pallas import tpu_sc as plsc

BATCH = 16384
HIST = 200
EMBED = 2
N_TOTAL = BATCH * HIST
NC, NS = 2, 16
NW = NC * NS
PER_W = N_TOTAL // NW
CHUNK = 20480
N_CHUNKS = PER_W // CHUNK

_mesh = plsc.VectorSubcoreMesh(core_axis_name="c", subcore_axis_name="s")


@functools.partial(
    pl.kernel,
    out_type=(
        jax.ShapeDtypeStruct((N_TOTAL,), jnp.float32),
        jax.ShapeDtypeStruct((N_TOTAL,), jnp.float32),
    ),
    mesh=_mesh,
    scratch_types=[
        pltpu.VMEM((2, CHUNK), jnp.int32),
        pltpu.VMEM((2, CHUNK), jnp.float32),
        pltpu.VMEM((2, CHUNK), jnp.float32),
        pltpu.SemaphoreType.DMA,
        pltpu.SemaphoreType.DMA,
        pltpu.SemaphoreType.DMA,
        pltpu.SemaphoreType.DMA,
    ],
    compiler_params=pltpu.CompilerParams(use_tc_tiling_on_sc=False),
)
def _gather_kernel(idx_hbm, w0_hbm, w1_hbm, o0_hbm, o1_hbm,
                   idx_v, g0_v, g1_v, sem_ga, sem_gb, sem_wa, sem_wb):
    wid = lax.axis_index("s") * NC + lax.axis_index("c")
    base = wid * PER_W
    sem_g = (sem_ga, sem_gb)
    sem_w = (sem_wa, sem_wb)

    def start_gathers(c, p):
        cp0 = pltpu.async_copy(w0_hbm.at[idx_v.at[p]], g0_v.at[p], sem_g[p])
        cp1 = pltpu.async_copy(w1_hbm.at[idx_v.at[p]], g1_v.at[p], sem_g[p])
        return (cp0, cp1)

    pltpu.sync_copy(idx_hbm.at[pl.ds(base, CHUNK)], idx_v.at[0])
    g = start_gathers(0, 0)
    w_prev = [None, None]

    for c in range(N_CHUNKS):
        p = c % 2
        q = 1 - p
        if c + 1 < N_CHUNKS:
            off_n = base + (c + 1) * CHUNK
            pltpu.sync_copy(idx_hbm.at[pl.ds(off_n, CHUNK)], idx_v.at[q])
        if w_prev[q] is not None:
            w_prev[q][0].wait()
            w_prev[q][1].wait()
            w_prev[q] = None
        g[0].wait()
        g[1].wait()
        if c + 1 < N_CHUNKS:
            g = start_gathers(c + 1, q)
        off = base + c * CHUNK
        cw0 = pltpu.async_copy(g0_v.at[p], o0_hbm.at[pl.ds(off, CHUNK)],
                               sem_w[p])
        cw1 = pltpu.async_copy(g1_v.at[p], o1_hbm.at[pl.ds(off, CHUNK)],
                               sem_w[p])
        w_prev[p] = (cw0, cw1)

    for p in range(2):
        if w_prev[p] is not None:
            w_prev[p][0].wait()
            w_prev[p][1].wait()


def kernel(x, W):
    xf = x.reshape(N_TOTAL).astype(jnp.int32)
    w0 = W[:, 0]
    w1 = W[:, 1]
    o0, o1 = _gather_kernel(xf, w0, w1)
    return jnp.stack(
        [o0.reshape(BATCH, HIST), o1.reshape(BATCH, HIST)], axis=-1)

# --- scband reference (transcript-rebuilt; emitter-appended) ---
"""Pipeline reference for scband-riemannian-embedding-20229295964335 (READ-ONLY COPY).

The authoritative reference and input builder live on the scoring server;
editing this copy changes nothing except your own understanding.
"""

import jax, jax.numpy as jnp
import numpy as np

N_EXEMPLE = 1000000
EMBED_DIM = 2  # hardcoded in RiemannianEmbedding: PoincareEmbedding(n_exemple, 2)
BATCH = 16384
HIST = 200

def setup_inputs(seed: int = 0) -> dict:
    key = jax.random.key(seed)
    k1, k2 = jax.random.split(key)
    x = jax.random.randint(k1, (BATCH, HIST), 0, N_EXEMPLE, dtype=jnp.int64)
    # Poincare embeddings are initialized uniformly in a small ball around the origin
    W = jax.random.uniform(k2, (N_EXEMPLE, EMBED_DIM), dtype=jnp.float32, minval=-1e-3, maxval=1e-3)
    return {"x": x, "W": W}

def reference(x, W):
    # forward(x) = self.W(x): a plain embedding lookup into the Poincare ball table
    return jnp.take(W, x, axis=0)

if __name__ == "__main__":
    import jax
    _d = setup_inputs()
    print(jax.jit(kernel)(*tuple(_d.values())))

</pallas_src>

<mosaic_0001>
#map = affine_map<(d0, d1) -> (0)>
module attributes {stable_mosaic.version = 14 : i64} {
  func.func @_gather_kernel(%arg0: i32, %arg1: i32, %arg2: memref<3276800xi32, #tpu.memory_space<hbm>>, %arg3: memref<1000000xf32, #tpu.memory_space<hbm>>, %arg4: memref<1000000xf32, #tpu.memory_space<hbm>>, %arg5: memref<3276800xf32, #tpu.memory_space<hbm>>, %arg6: memref<3276800xf32, #tpu.memory_space<hbm>>, %arg7: memref<2x20480xi32, #tpu.memory_space<vmem>>, %arg8: memref<2x20480xf32, #tpu.memory_space<vmem>>, %arg9: memref<2x20480xf32, #tpu.memory_space<vmem>>, %arg10: memref<!tpu.dma_semaphore, #tpu.memory_space<semaphore_mem>>, %arg11: memref<!tpu.dma_semaphore, #tpu.memory_space<semaphore_mem>>, %arg12: memref<!tpu.dma_semaphore, #tpu.memory_space<semaphore_mem>>, %arg13: memref<!tpu.dma_semaphore, #tpu.memory_space<semaphore_mem>>) attributes {dimension_semantics = [#tpu.dimension_semantics<core_parallel>, #tpu.dimension_semantics<subcore_parallel>], iteration_bounds = array<i64: 2, 16>, scalar_prefetch = 0 : i64, scratch_operands = 7 : i64, tpu.core_type = #tpu.core_type<sc_vector_subcore>, window_params = [{transform_indices = #map}, {transform_indices = #map}, {transform_indices = #map}, {transform_indices = #map}, {transform_indices = #map}]} {
    %mul3A = arith.constant 2 : i32
    %mul3A_0 = arith.muli %arg1, %mul3A : i32
    %add3A = arith.addi %mul3A_0, %arg0 : i32
    %mul3A_1 = arith.constant 102400 : i32
    %mul3A_2 = arith.muli %add3A, %mul3A_1 : i32
    %run_scoped3A = arith.constant 0 : i32
    "tpu.region"() ({
      %run_scoped3A_403 = tpu.sem_alloc : memref<!tpu.dma_semaphore, #tpu.memory_space<semaphore_mem>>
      %dma_start3A_404 = arith.constant 0 : i32
      %dma_start3A_405 = tpu.memref_slice %arg7[%run_scoped3A, %dma_start3A_404] : memref<2x20480xi32, #tpu.memory_space<vmem>> -> memref<1x20480xi32, #tpu.memory_space<vmem>>
      %dma_start3A_406 = tpu.memref_squeeze %dma_start3A_405 : memref<1x20480xi32, #tpu.memory_space<vmem>> -> memref<20480xi32, #tpu.memory_space<vmem>>
      %dma_start3A_407 = tpu.memref_slice %arg2[%mul3A_2] : memref<3276800xi32, #tpu.memory_space<hbm>> -> memref<20480xi32, #tpu.memory_space<hbm>>
      %dma_start3A_408 = arith.constant 0 : i32
      %dma_start3A_409 = tpu.memref_slice %arg7[%run_scoped3A, %dma_start3A_408] : memref<2x20480xi32, #tpu.memory_space<vmem>> -> memref<1x20480xi32, #tpu.memory_space<vmem>>
      %dma_start3A_410 = tpu.memref_squeeze %dma_start3A_409 : memref<1x20480xi32, #tpu.memory_space<vmem>> -> memref<20480xi32, #tpu.memory_space<vmem>>
      %dma_start3A_411 = tpu.memref_slice %arg2[%mul3A_2] : memref<3276800xi32, #tpu.memory_space<hbm>> -> memref<20480xi32, #tpu.memory_space<hbm>>
      tpu.enqueue_dma source(%dma_start3A_411 : memref<20480xi32, #tpu.memory_space<hbm>>) target(%dma_start3A_410 : memref<20480xi32, #tpu.memory_space<vmem>>) target_semaphore(%run_scoped3A_403 : memref<!tpu.dma_semaphore, #tpu.memory_space<semaphore_mem>>)
      %dma_wait3A_412 = arith.constant 0 : i32
      %dma_wait3A_413 = tpu.memref_slice %arg7[%run_scoped3A, %dma_wait3A_412] : memref<2x20480xi32, #tpu.memory_space<vmem>> -> memref<1x20480xi32, #tpu.memory_space<vmem>>
      %dma_wait3A_414 = tpu.memref_squeeze %dma_wait3A_413 : memref<1x20480xi32, #tpu.memory_space<vmem>> -> memref<20480xi32, #tpu.memory_space<vmem>>
      %dma_wait3A_415 = tpu.memref_slice %arg2[%mul3A_2] : memref<3276800xi32, #tpu.memory_space<hbm>> -> memref<20480xi32, #tpu.memory_space<hbm>>
      %dma_wait3A_416 = arith.constant 0 : i32
      %dma_wait3A_417 = tpu.memref_slice %arg7[%run_scoped3A, %dma_wait3A_416] : memref<2x20480xi32, #tpu.memory_space<vmem>> -> memref<1x20480xi32, #tpu.memory_space<vmem>>
      %dma_wait3A_418 = tpu.memref_squeeze %dma_wait3A_417 : memref<1x20480xi32, #tpu.memory_space<vmem>> -> memref<20480xi32, #tpu.memory_space<vmem>>
      %dma_wait3A_419 = tpu.memref_slice %arg2[%mul3A_2] : memref<3276800xi32, #tpu.memory_space<hbm>> -> memref<20480xi32, #tpu.memory_space<hbm>>
      tpu.wait_dma2 semaphore(%run_scoped3A_403 : memref<!tpu.dma_semaphore, #tpu.memory_space<semaphore_mem>>) src(%dma_wait3A_419 : memref<20480xi32, #tpu.memory_space<hbm>>) dst(%dma_wait3A_418 : memref<20480xi32, #tpu.memory_space<vmem>>)
      tpu.yield
    }) : () -> ()
    %dma_start3A = arith.constant 0 : i32
    %dma_start3A_3 = arith.constant 0 : i32
    %dma_start3A_4 = arith.constant 0 : i32
    %dma_start3A_5 = tpu.memref_slice %arg8[%dma_start3A_3, %dma_start3A_4] : memref<2x20480xf32, #tpu.memory_space<vmem>> -> memref<1x20480xf32, #tpu.memory_space<vmem>>
    %dma_start3A_6 = tpu.memref_squeeze %dma_start3A_5 : memref<1x20480xf32, #tpu.memory_space<vmem>> -> memref<20480xf32, #tpu.memory_space<vmem>>
    %dma_start3A_7 = arith.constant 0 : i32
    %dma_start3A_8 = tpu.memref_slice %arg7[%dma_start3A, %dma_start3A_7] : memref<2x20480xi32, #tpu.memory_space<vmem>> -> memref<1x20480xi32, #tpu.memory_space<vmem>>
    %dma_start3A_9 = tpu.memref_squeeze %dma_start3A_8 : memref<1x20480xi32, #tpu.memory_space<vmem>> -> memref<20480xi32, #tpu.memory_space<vmem>>
    %dma_start3A_10 = arith.constant 0 : i32
    %dma_start3A_11 = tpu.memref_slice %arg3[%dma_start3A_10] : memref<1000000xf32, #tpu.memory_space<hbm>> -> memref<1000000xf32, #tpu.memory_space<hbm>>
    tpu.enqueue_indirect_dma source(%dma_start3A_11 : memref<1000000xf32, #tpu.memory_space<hbm>>) target(%dma_start3A_6 : memref<20480xf32, #tpu.memory_space<vmem>>) offsets(%dma_start3A_9 : memref<20480xi32, #tpu.memory_space<vmem>>) semaphore(%arg10 : memref<!tpu.dma_semaphore, #tpu.memory_space<semaphore_mem>>)
    %dma_start3A_12 = arith.constant 0 : i32
    %dma_start3A_13 = arith.constant 0 : i32
    %dma_start3A_14 = arith.constant 0 : i32
    %dma_start3A_15 = tpu.memref_slice %arg9[%dma_start3A_13, %dma_start3A_14] : memref<2x20480xf32, #tpu.memory_space<vmem>> -> memref<1x20480xf32, #tpu.memory_space<vmem>>
    %dma_start3A_16 = tpu.memref_squeeze %dma_start3A_15 : memref<1x20480xf32, #tpu.memory_space<vmem>> -> memref<20480xf32, #tpu.memory_space<vmem>>
    %dma_start3A_17 = arith.constant 0 : i32
    %dma_start3A_18 = tpu.memref_slice %arg7[%dma_start3A_12, %dma_start3A_17] : memref<2x20480xi32, #tpu.memory_space<vmem>> -> memref<1x20480xi32, #tpu.memory_space<vmem>>
    %dma_start3A_19 = tpu.memref_squeeze %dma_start3A_18 : memref<1x20480xi32, #tpu.memory_space<vmem>> -> memref<20480xi32, #tpu.memory_space<vmem>>
    %dma_start3A_20 = arith.constant 0 : i32
    %dma_start3A_21 = tpu.memref_slice %arg4[%dma_start3A_20] : memref<1000000xf32, #tpu.memory_space<hbm>> -> memref<1000000xf32, #tpu.memory_space<hbm>>
    tpu.enqueue_indirect_dma source(%dma_start3A_21 : memref<1000000xf32, #tpu.memory_space<hbm>>) target(%dma_start3A_16 : memref<20480xf32, #tpu.memory_space<vmem>>) offsets(%dma_start3A_19 : memref<20480xi32, #tpu.memory_space<vmem>>) semaphore(%arg10 : memref<!tpu.dma_semaphore, #tpu.memory_space<semaphore_mem>>)
    %add3A_22 = arith.constant 20480 : i32
    %add3A_23 = arith.addi %mul3A_2, %add3A_22 : i32
    %run_scoped3A_24 = arith.constant 1 : i32
    "tpu.region"() ({
      %run_scoped3A_403 = tpu.sem_alloc : memref<!tpu.dma_semaphore, #tpu.memory_space<semaphore_mem>>
      %dma_start3A_404 = arith.constant 0 : i32
      %dma_start3A_405 = tpu.memref_slice %arg7[%run_scoped3A_24, %dma_start3A_404] : memref<2x20480xi32, #tpu.memory_space<vmem>> -> memref<1x20480xi32, #tpu.memory_space<vmem>>
      %dma_start3A_406 = tpu.memref_squeeze %dma_start3A_405 : memref<1x20480xi32, #tpu.memory_space<vmem>> -> memref<20480xi32, #tpu.memory_space<vmem>>
      %dma_start3A_407 = tpu.memref_slice %arg2[%add3A_23] : memref<3276800xi32, #tpu.memory_space<hbm>> -> memref<20480xi32, #tpu.memory_space<hbm>>
      %dma_start3A_408 = arith.constant 0 : i32
      %dma_start3A_409 = tpu.memref_slice %arg7[%run_scoped3A_24, %dma_start3A_408] : memref<2x20480xi32, #tpu.memory_space<vmem>> -> memref<1x20480xi32, #tpu.memory_space<vmem>>
      %dma_start3A_410 = tpu.memref_squeeze %dma_start3A_409 : memref<1x20480xi32, #tpu.memory_space<vmem>> -> memref<20480xi32, #tpu.memory_space<vmem>>
      %dma_start3A_411 = tpu.memref_slice %arg2[%add3A_23] : memref<3276800xi32, #tpu.memory_space<hbm>> -> memref<20480xi32, #tpu.memory_space<hbm>>
      tpu.enqueue_dma source(%dma_start3A_411 : memref<20480xi32, #tpu.memory_space<hbm>>) target(%dma_start3A_410 : memref<20480xi32, #tpu.memory_space<vmem>>) target_semaphore(%run_scoped3A_403 : memref<!tpu.dma_semaphore, #tpu.memory_space<semaphore_mem>>)
      %dma_wait3A_412 = arith.constant 0 : i32
      %dma_wait3A_413 = tpu.memref_slice %arg7[%run_scoped3A_24, %dma_wait3A_412] : memref<2x20480xi32, #tpu.memory_space<vmem>> -> memref<1x20480xi32, #tpu.memory_space<vmem>>
      %dma_wait3A_414 = tpu.memref_squeeze %dma_wait3A_413 : memref<1x20480xi32, #tpu.memory_space<vmem>> -> memref<20480xi32, #tpu.memory_space<vmem>>
      %dma_wait3A_415 = tpu.memref_slice %arg2[%add3A_23] : memref<3276800xi32, #tpu.memory_space<hbm>> -> memref<20480xi32, #tpu.memory_space<hbm>>
      %dma_wait3A_416 = arith.constant 0 : i32
      %dma_wait3A_417 = tpu.memref_slice %arg7[%run_scoped3A_24, %dma_wait3A_416] : memref<2x20480xi32, #tpu.memory_space<vmem>> -> memref<1x20480xi32, #tpu.memory_space<vmem>>
      %dma_wait3A_418 = tpu.memref_squeeze %dma_wait3A_417 : memref<1x20480xi32, #tpu.memory_space<vmem>> -> memref<20480xi32, #tpu.memory_space<vmem>>
      %dma_wait3A_419 = tpu.memref_slice %arg2[%add3A_23] : memref<3276800xi32, #tpu.memory_space<hbm>> -> memref<20480xi32, #tpu.memory_space<hbm>>
      tpu.wait_dma2 semaphore(%run_scoped3A_403 : memref<!tpu.dma_semaphore, #tpu.memory_space<semaphore_mem>>) src(%dma_wait3A_419 : memref<20480xi32, #tpu.memory_space<hbm>>) dst(%dma_wait3A_418 : memref<20480xi32, #tpu.memory_space<vmem>>)
      tpu.yield
    }) : () -> ()
    %dma_wait3A = arith.constant 0 : i32
    %dma_wait3A_25 = arith.constant 0 : i32
    %dma_wait3A_26 = arith.constant 0 : i32
    %dma_wait3A_27 = tpu.memref_slice %arg8[%dma_wait3A_25, %dma_wait3A_26] : memref<2x20480xf32, #tpu.memory_space<vmem>> -> memref<1x20480xf32, #tpu.memory_space<vmem>>
    %dma_wait3A_28 = tpu.memref_squeeze %dma_wait3A_27 : memref<1x20480xf32, #tpu.memory_space<vmem>> -> memref<20480xf32, #tpu.memory_space<vmem>>
    %dma_wait3A_29 = arith.constant 0 : i32
    %dma_wait3A_30 = tpu.memref_slice %arg7[%dma_wait3A, %dma_wait3A_29] : memref<2x20480xi32, #tpu.memory_space<vmem>> -> memref<1x20480xi32, #tpu.memory_space<vmem>>
    %dma_wait3A_31 = tpu.memref_squeeze %dma_wait3A_30 : memref<1x20480xi32, #tpu.memory_space<vmem>> -> memref<20480xi32, #tpu.memory_space<vmem>>
    %dma_wait3A_32 = arith.constant 0 : i32
    %dma_wait3A_33 = tpu.memref_slice %arg3[%dma_wait3A_32] : memref<1000000xf32, #tpu.memory_space<hbm>> -> memref<1000000xf32, #tpu.memory_space<hbm>>
    tpu.wait_indirect_dma semaphore(%arg10 : memref<!tpu.dma_semaphore, #tpu.memory_space<semaphore_mem>>) src(%dma_wait3A_33 : memref<1000000xf32, #tpu.memory_space<hbm>>) dst(%dma_wait3A_28 : memref<20480xf32, #tpu.memory_space<vmem>>)
    %dma_wait3A_34 = arith.constant 0 : i32
    %dma_wait3A_35 = arith.constant 0 : i32
    %dma_wait3A_36 = arith.constant 0 : i32
    %dma_wait3A_37 = tpu.memref_slice %arg9[%dma_wait3A_35, %dma_wait3A_36] : memref<2x20480xf32, #tpu.memory_space<vmem>> -> memref<1x20480xf32, #tpu.memory_space<vmem>>
    %dma_wait3A_38 = tpu.memref_squeeze %dma_wait3A_37 : memref<1x20480xf32, #tpu.memory_space<vmem>> -> memref<20480xf32, #tpu.memory_space<vmem>>
    %dma_wait3A_39 = arith.constant 0 : i32
    %dma_wait3A_40 = tpu.memref_slice %arg7[%dma_wait3A_34, %dma_wait3A_39] : memref<2x20480xi32, #tpu.memory_space<vmem>> -> memref<1x20480xi32, #tpu.memory_space<vmem>>
    %dma_wait3A_41 = tpu.memref_squeeze %dma_wait3A_40 : memref<1x20480xi32, #tpu.memory_space<vmem>> -> memref<20480xi32, #tpu.memory_space<vmem>>
    %dma_wait3A_42 = arith.constant 0 : i32
    %dma_wait3A_43 = tpu.memref_slice %arg4[%dma_wait3A_42] : memref<1000000xf32, #tpu.memory_space<hbm>> -> memref<1000000xf32, #tpu.memory_space<hbm>>
    tpu.wait_indirect_dma semaphore(%arg10 : memref<!tpu.dma_semaphore, #tpu.memory_space<semaphore_mem>>) src(%dma_wait3A_43 : memref<1000000xf32, #tpu.memory_space<hbm>>) dst(%dma_wait3A_38 : memref<20480xf32, #tpu.memory_space<vmem>>)
    %dma_start3A_44 = arith.constant 1 : i32
    %dma_start3A_45 = arith.constant 1 : i32
    %dma_start3A_46 = arith.constant 0 : i32
    %dma_start3A_47 = tpu.memref_slice %arg8[%dma_start3A_45, %dma_start3A_46] : memref<2x20480xf32, #tpu.memory_space<vmem>> -> memref<1x20480xf32, #tpu.memory_space<vmem>>
    %dma_start3A_48 = tpu.memref_squeeze %dma_start3A_47 : memref<1x20480xf32, #tpu.memory_space<vmem>> -> memref<20480xf32, #tpu.memory_space<vmem>>
    %dma_start3A_49 = arith.constant 0 : i32
    %dma_start3A_50 = tpu.memref_slice %arg7[%dma_start3A_44, %dma_start3A_49] : memref<2x20480xi32, #tpu.memory_space<vmem>> -> memref<1x20480xi32, #tpu.memory_space<vmem>>
    %dma_start3A_51 = tpu.memref_squeeze %dma_start3A_50 : memref<1x20480xi32, #tpu.memory_space<vmem>> -> memref<20480xi32, #tpu.memory_space<vmem>>
    %dma_start3A_52 = arith.constant 0 : i32
    %dma_start3A_53 = tpu.memref_slice %arg3[%dma_start3A_52] : memref<1000000xf32, #tpu.memory_space<hbm>> -> memref<1000000xf32, #tpu.memory_space<hbm>>
    tpu.enqueue_indirect_dma source(%dma_start3A_53 : memref<1000000xf32, #tpu.memory_space<hbm>>) target(%dma_start3A_48 : memref<20480xf32, #tpu.memory_space<vmem>>) offsets(%dma_start3A_51 : memref<20480xi32, #tpu.memory_space<vmem>>) semaphore(%arg11 : memref<!tpu.dma_semaphore, #tpu.memory_space<semaphore_mem>>)
    %dma_start3A_54 = arith.constant 1 : i32
    %dma_start3A_55 = arith.constant 1 : i32
    %dma_start3A_56 = arith.constant 0 : i32
    %dma_start3A_57 = tpu.memref_slice %arg9[%dma_start3A_55, %dma_start3A_56] : memref<2x20480xf32, #tpu.memory_space<vmem>> -> memref<1x20480xf32, #tpu.memory_space<vmem>>
    %dma_start3A_58 = tpu.memref_squeeze %dma_start3A_57 : memref<1x20480xf32, #tpu.memory_space<vmem>> -> memref<20480xf32, #tpu.memory_space<vmem>>
    %dma_start3A_59 = arith.constant 0 : i32
    %dma_start3A_60 = tpu.memref_slice %arg7[%dma_start3A_54, %dma_start3A_59] : memref<2x20480xi32, #tpu.memory_space<vmem>> -> memref<1x20480xi32, #tpu.memory_space<vmem>>
    %dma_start3A_61 = tpu.memref_squeeze %dma_start3A_60 : memref<1x20480xi32, #tpu.memory_space<vmem>> -> memref<20480xi32, #tpu.memory_space<vmem>>
    %dma_start3A_62 = arith.constant 0 : i32
    %dma_start3A_63 = tpu.memref_slice %arg4[%dma_start3A_62] : memref<1000000xf32, #tpu.memory_space<hbm>> -> memref<1000000xf32, #tpu.memory_space<hbm>>
    tpu.enqueue_indirect_dma source(%dma_start3A_63 : memref<1000000xf32, #tpu.memory_space<hbm>>) target(%dma_start3A_58 : memref<20480xf32, #tpu.memory_space<vmem>>) offsets(%dma_start3A_61 : memref<20480xi32, #tpu.memory_space<vmem>>) semaphore(%arg11 : memref<!tpu.dma_semaphore, #tpu.memory_space<semaphore_mem>>)
    %add3A_64 = arith.constant 0 : i32
    %add3A_65 = arith.addi %mul3A_2, %add3A_64 : i32
    %dma_start3A_66 = arith.constant 0 : i32
    %dma_start3A_67 = arith.constant 0 : i32
    %dma_start3A_68 = tpu.memref_slice %arg8[%dma_start3A_66, %dma_start3A_67] : memref<2x20480xf32, #tpu.memory_space<vmem>> -> memref<1x20480xf32, #tpu.memory_space<vmem>>
    %dma_start3A_69 = tpu.memref_squeeze %dma_start3A_68 : memref<1x20480xf32, #tpu.memory_space<vmem>> -> memref<20480xf32, #tpu.memory_space<vmem>>
    %dma_start3A_70 = tpu.memref_slice %arg5[%add3A_65] : memref<3276800xf32, #tpu.memory_space<hbm>> -> memref<20480xf32, #tpu.memory_space<hbm>>
    %dma_start3A_71 = tpu.memref_slice %arg5[%add3A_65] : memref<3276800xf32, #tpu.memory_space<hbm>> -> memref<20480xf32, #tpu.memory_space<hbm>>
    %dma_start3A_72 = arith.constant 0 : i32
    %dma_start3A_73 = tpu.memref_slice %arg8[%dma_start3A_66, %dma_start3A_72] : memref<2x20480xf32, #tpu.memory_space<vmem>> -> memref<1x20480xf32, #tpu.memory_space<vmem>>
    %dma_start3A_74 = tpu.memref_squeeze %dma_start3A_73 : memref<1x20480xf32, #tpu.memory_space<vmem>> -> memref<20480xf32, #tpu.memory_space<vmem>>
    tpu.enqueue_dma source(%dma_start3A_74 : memref<20480xf32, #tpu.memory_space<vmem>>) target(%dma_start3A_71 : memref<20480xf32, #tpu.memory_space<hbm>>) target_semaphore(%arg12 : memref<!tpu.dma_semaphore, #tpu.memory_space<semaphore_mem>>)
    %dma_start3A_75 = arith.constant 0 : i32
    %dma_start3A_76 = arith.constant 0 : i32
    %dma_start3A_77 = tpu.memref_slice %arg9[%dma_start3A_75, %dma_start3A_76] : memref<2x20480xf32, #tpu.memory_space<vmem>> -> memref<1x20480xf32, #tpu.memory_space<vmem>>
    %dma_start3A_78 = tpu.memref_squeeze %dma_start3A_77 : memref<1x20480xf32, #tpu.memory_space<vmem>> -> memref<20480xf32, #tpu.memory_space<vmem>>
    %dma_start3A_79 = tpu.memref_slice %arg6[%add3A_65] : memref<3276800xf32, #tpu.memory_space<hbm>> -> memref<20480xf32, #tpu.memory_space<hbm>>
    %dma_start3A_80 = tpu.memref_slice %arg6[%add3A_65] : memref<3276800xf32, #tpu.memory_space<hbm>> -> memref<20480xf32, #tpu.memory_space<hbm>>
    %dma_start3A_81 = arith.constant 0 : i32
    %dma_start3A_82 = tpu.memref_slice %arg9[%dma_start3A_75, %dma_start3A_81] : memref<2x20480xf32, #tpu.memory_space<vmem>> -> memref<1x20480xf32, #tpu.memory_space<vmem>>
    %dma_start3A_83 = tpu.memref_squeeze %dma_start3A_82 : memref<1x20480xf32, #tpu.memory_space<vmem>> -> memref<20480xf32, #tpu.memory_space<vmem>>
    tpu.enqueue_dma source(%dma_start3A_83 : memref<20480xf32, #tpu.memory_space<vmem>>) target(%dma_start3A_80 : memref<20480xf32, #tpu.memory_space<hbm>>) target_semaphore(%arg12 : memref<!tpu.dma_semaphore, #tpu.memory_space<semaphore_mem>>)
    %add3A_84 = arith.constant 40960 : i32
    %add3A_85 = arith.addi %mul3A_2, %add3A_84 : i32
    %run_scoped3A_86 = arith.constant 0 : i32
    "tpu.region"() ({
      %run_scoped3A_403 = tpu.sem_alloc : memref<!tpu.dma_semaphore, #tpu.memory_space<semaphore_mem>>
      %dma_start3A_404 = arith.constant 0 : i32
      %dma_start3A_405 = tpu.memref_slice %arg7[%run_scoped3A_86, %dma_start3A_404] : memref<2x20480xi32, #tpu.memory_space<vmem>> -> memref<1x20480xi32, #tpu.memory_space<vmem>>
      %dma_start3A_406 = tpu.memref_squeeze %dma_start3A_405 : memref<1x20480xi32, #tpu.memory_space<vmem>> -> memref<20480xi32, #tpu.memory_space<vmem>>
      %dma_start3A_407 = tpu.memref_slice %arg2[%add3A_85] : memref<3276800xi32, #tpu.memory_space<hbm>> -> memref<20480xi32, #tpu.memory_space<hbm>>
      %dma_start3A_408 = arith.constant 0 : i32
      %dma_start3A_409 = tpu.memref_slice %arg7[%run_scoped3A_86, %dma_start3A_408] : memref<2x20480xi32, #tpu.memory_space<vmem>> -> memref<1x20480xi32, #tpu.memory_space<vmem>>
      %dma_start3A_410 = tpu.memref_squeeze %dma_start3A_409 : memref<1x20480xi32, #tpu.memory_space<vmem>> -> memref<20480xi32, #tpu.memory_space<vmem>>
      %dma_start3A_411 = tpu.memref_slice %arg2[%add3A_85] : memref<3276800xi32, #tpu.memory_space<hbm>> -> memref<20480xi32, #tpu.memory_space<hbm>>
      tpu.enqueue_dma source(%dma_start3A_411 : memref<20480xi32, #tpu.memory_space<hbm>>) target(%dma_start3A_410 : memref<20480xi32, #tpu.memory_space<vmem>>) target_semaphore(%run_scoped3A_403 : memref<!tpu.dma_semaphore, #tpu.memory_space<semaphore_mem>>)
      %dma_wait3A_412 = arith.constant 0 : i32
      %dma_wait3A_413 = tpu.memref_slice %arg7[%run_scoped3A_86, %dma_wait3A_412] : memref<2x20480xi32, #tpu.memory_space<vmem>> -> memref<1x20480xi32, #tpu.memory_space<vmem>>
      %dma_wait3A_414 = tpu.memref_squeeze %dma_wait3A_413 : memref<1x20480xi32, #tpu.memory_space<vmem>> -> memref<20480xi32, #tpu.memory_space<vmem>>
      %dma_wait3A_415 = tpu.memref_slice %arg2[%add3A_85] : memref<3276800xi32, #tpu.memory_space<hbm>> -> memref<20480xi32, #tpu.memory_space<hbm>>
      %dma_wait3A_416 = arith.constant 0 : i32
      %dma_wait3A_417 = tpu.memref_slice %arg7[%run_scoped3A_86, %dma_wait3A_416] : memref<2x20480xi32, #tpu.memory_space<vmem>> -> memref<1x20480xi32, #tpu.memory_space<vmem>>
      %dma_wait3A_418 = tpu.memref_squeeze %dma_wait3A_417 : memref<1x20480xi32, #tpu.memory_space<vmem>> -> memref<20480xi32, #tpu.memory_space<vmem>>
      %dma_wait3A_419 = tpu.memref_slice %arg2[%add3A_85] : memref<3276800xi32, #tpu.memory_space<hbm>> -> memref<20480xi32, #tpu.memory_space<hbm>>
      tpu.wait_dma2 semaphore(%run_scoped3A_403 : memref<!tpu.dma_semaphore, #tpu.memory_space<semaphore_mem>>) src(%dma_wait3A_419 : memref<20480xi32, #tpu.memory_space<hbm>>) dst(%dma_wait3A_418 : memref<20480xi32, #tpu.memory_space<vmem>>)
      tpu.yield
    }) : () -> ()
    %dma_wait3A_87 = arith.constant 0 : i32
    %dma_wait3A_88 = arith.constant 0 : i32
    %dma_wait3A_89 = tpu.memref_slice %arg8[%dma_wait3A_87, %dma_wait3A_88] : memref<2x20480xf32, #tpu.memory_space<vmem>> -> memref<1x20480xf32, #tpu.memory_space<vmem>>
    %dma_wait3A_90 = tpu.memref_squeeze %dma_wait3A_89 : memref<1x20480xf32, #tpu.memory_space<vmem>> -> memref<20480xf32, #tpu.memory_space<vmem>>
    %dma_wait3A_91 = tpu.memref_slice %arg5[%add3A_65] : memref<3276800xf32, #tpu.memory_space<hbm>> -> memref<20480xf32, #tpu.memory_space<hbm>>
    %dma_wait3A_92 = tpu.memref_slice %arg5[%add3A_65] : memref<3276800xf32, #tpu.memory_space<hbm>> -> memref<20480xf32, #tpu.memory_space<hbm>>
    %dma_wait3A_93 = arith.constant 0 : i32
    %dma_wait3A_94 = tpu.memref_slice %arg8[%dma_wait3A_87, %dma_wait3A_93] : memref<2x20480xf32, #tpu.memory_space<vmem>> -> memref<1x20480xf32, #tpu.memory_space<vmem>>
    %dma_wait3A_95 = tpu.memref_squeeze %dma_wait3A_94 : memref<1x20480xf32, #tpu.memory_space<vmem>> -> memref<20480xf32, #tpu.memory_space<vmem>>
    tpu.wait_dma2 semaphore(%arg12 : memref<!tpu.dma_semaphore, #tpu.memory_space<semaphore_mem>>) src(%dma_wait3A_95 : memref<20480xf32, #tpu.memory_space<vmem>>) dst(%dma_wait3A_92 : memref<20480xf32, #tpu.memory_space<hbm>>)
    %dma_wait3A_96 = arith.constant 0 : i32
    %dma_wait3A_97 = arith.constant 0 : i32
    %dma_wait3A_98 = tpu.memref_slice %arg9[%dma_wait3A_96, %dma_wait3A_97] : memref<2x20480xf32, #tpu.memory_space<vmem>> -> memref<1x20480xf32, #tpu.memory_space<vmem>>
    %dma_wait3A_99 = tpu.memref_squeeze %dma_wait3A_98 : memref<1x20480xf32, #tpu.memory_space<vmem>> -> memref<20480xf32, #tpu.memory_space<vmem>>
    %dma_wait3A_100 = tpu.memref_slice %arg6[%add3A_65] : memref<3276800xf32, #tpu.memory_space<hbm>> -> memref<20480xf32, #tpu.memory_space<hbm>>
    %dma_wait3A_101 = tpu.memref_slice %arg6[%add3A_65] : memref<3276800xf32, #tpu.memory_space<hbm>> -> memref<20480xf32, #tpu.memory_space<hbm>>
    %dma_wait3A_102 = arith.constant 0 : i32
    %dma_wait3A_103 = tpu.memref_slice %arg9[%dma_wait3A_96, %dma_wait3A_102] : memref<2x20480xf32, #tpu.memory_space<vmem>> -> memref<1x20480xf32, #tpu.memory_space<vmem>>
    %dma_wait3A_104 = tpu.memref_squeeze %dma_wait3A_103 : memref<1x20480xf32, #tpu.memory_space<vmem>> -> memref<20480xf32, #tpu.memory_space<vmem>>
    tpu.wait_dma2 semaphore(%arg12 : memref<!tpu.dma_semaphore, #tpu.memory_space<semaphore_mem>>) src(%dma_wait3A_104 : memref<20480xf32, #tpu.memory_space<vmem>>) dst(%dma_wait3A_101 : memref<20480xf32, #tpu.memory_space<hbm>>)
    %dma_wait3A_105 = arith.constant 1 : i32
    %dma_wait3A_106 = arith.constant 1 : i32
    %dma_wait3A_107 = arith.constant 0 : i32
    %dma_wait3A_108 = tpu.memref_slice %arg8[%dma_wait3A_106, %dma_wait3A_107] : memref<2x20480xf32, #tpu.memory_space<vmem>> -> memref<1x20480xf32, #tpu.memory_space<vmem>>
    %dma_wait3A_109 = tpu.memref_squeeze %dma_wait3A_108 : memref<1x20480xf32, #tpu.memory_space<vmem>> -> memref<20480xf32, #tpu.memory_space<vmem>>
    %dma_wait3A_110 = arith.constant 0 : i32
    %dma_wait3A_111 = tpu.memref_slice %arg7[%dma_wait3A_105, %dma_wait3A_110] : memref<2x20480xi32, #tpu.memory_space<vmem>> -> memref<1x20480xi32, #tpu.memory_space<vmem>>
    %dma_wait3A_112 = tpu.memref_squeeze %dma_wait3A_111 : memref<1x20480xi32, #tpu.memory_space<vmem>> -> memref<20480xi32, #tpu.memory_space<vmem>>
    %dma_wait3A_113 = arith.constant 0 : i32
    %dma_wait3A_114 = tpu.memref_slice %arg3[%dma_wait3A_113] : memref<1000000xf32, #tpu.memory_space<hbm>> -> memref<1000000xf32, #tpu.memory_space<hbm>>
    tpu.wait_indirect_dma semaphore(%arg11 : memref<!tpu.dma_semaphore, #tpu.memory_space<semaphore_mem>>) src(%dma_wait3A_114 : memref<1000000xf32, #tpu.memory_space<hbm>>) dst(%dma_wait3A_109 : memref<20480xf32, #tpu.memory_space<vmem>>)
    %dma_wait3A_115 = arith.constant 1 : i32
    %dma_wait3A_116 = arith.constant 1 : i32
    %dma_wait3A_117 = arith.constant 0 : i32
    %dma_wait3A_118 = tpu.memref_slice %arg9[%dma_wait3A_116, %dma_wait3A_117] : memref<2x20480xf32, #tpu.memory_space<vmem>> -> memref<1x20480xf32, #tpu.memory_space<vmem>>
    %dma_wait3A_119 = tpu.memref_squeeze %dma_wait3A_118 : memref<1x20480xf32, #tpu.memory_space<vmem>> -> memref<20480xf32, #tpu.memory_space<vmem>>
    %dma_wait3A_120 = arith.constant 0 : i32
    %dma_wait3A_121 = tpu.memref_slice %arg7[%dma_wait3A_115, %dma_wait3A_120] : memref<2x20480xi32, #tpu.memory_space<vmem>> -> memref<1x20480xi32, #tpu.memory_space<vmem>>
    %dma_wait3A_122 = tpu.memref_squeeze %dma_wait3A_121 : memref<1x20480xi32, #tpu.memory_space<vmem>> -> memref<20480xi32, #tpu.memory_space<vmem>>
    %dma_wait3A_123 = arith.constant 0 : i32
    %dma_wait3A_124 = tpu.memref_slice %arg4[%dma_wait3A_123] : memref<1000000xf32, #tpu.memory_space<hbm>> -> memref<1000000xf32, #tpu.memory_space<hbm>>
    tpu.wait_indirect_dma semaphore(%arg11 : memref<!tpu.dma_semaphore, #tpu.memory_space<semaphore_mem>>) src(%dma_wait3A_124 : memref<1000000xf32, #tpu.memory_space<hbm>>) dst(%dma_wait3A_119 : memref<20480xf32, #tpu.memory_space<vmem>>)
    %dma_start3A_125 = arith.constant 0 : i32
    %dma_start3A_126 = arith.constant 0 : i32
    %dma_start3A_127 = arith.constant 0 : i32
    %dma_start3A_128 = tpu.memref_slice %arg8[%dma_start3A_126, %dma_start3A_127] : memref<2x20480xf32, #tpu.memory_space<vmem>> -> memref<1x20480xf32, #tpu.memory_space<vmem>>
    %dma_start3A_129 = tpu.memref_squeeze %dma_start3A_128 : memref<1x20480xf32, #tpu.memory_space<vmem>> -> memref<20480xf32, #tpu.memory_space<vmem>>
    %dma_start3A_130 = arith.constant 0 : i32
    %dma_start3A_131 = tpu.memref_slice %arg7[%dma_start3A_125, %dma_start3A_130] : memref<2x20480xi32, #tpu.memory_space<vmem>> -> memref<1x20480xi32, #tpu.memory_space<vmem>>
    %dma_start3A_132 = tpu.memref_squeeze %dma_start3A_131 : memref<1x20480xi32, #tpu.memory_space<vmem>> -> memref<20480xi32, #tpu.memory_space<vmem>>
    %dma_start3A_133 = arith.constant 0 : i32
    %dma_start3A_134 = tpu.memref_slice %arg3[%dma_start3A_133] : memref<1000000xf32, #tpu.memory_space<hbm>> -> memref<1000000xf32, #tpu.memory_space<hbm>>
    tpu.enqueue_indirect_dma source(%dma_start3A_134 : memref<1000000xf32, #tpu.memory_space<hbm>>) target(%dma_start3A_129 : memref<20480xf32, #tpu.memory_space<vmem>>) offsets(%dma_start3A_132 : memref<20480xi32, #tpu.memory_space<vmem>>) semaphore(%arg10 : memref<!tpu.dma_semaphore, #tpu.memory_space<semaphore_mem>>)
    %dma_start3A_135 = arith.constant 0 : i32
    %dma_start3A_136 = arith.constant 0 : i32
    %dma_start3A_137 = arith.constant 0 : i32
    %dma_start3A_138 = tpu.memref_slice %arg9[%dma_start3A_136, %dma_start3A_137] : memref<2x20480xf32, #tpu.memory_space<vmem>> -> memref<1x20480xf32, #tpu.memory_space<vmem>>
    %dma_start3A_139 = tpu.memref_squeeze %dma_start3A_138 : memref<1x20480xf32, #tpu.memory_space<vmem>> -> memref<20480xf32, #tpu.memory_space<vmem>>
    %dma_start3A_140 = arith.constant 0 : i32
    %dma_start3A_141 = tpu.memref_slice %arg7[%dma_start3A_135, %dma_start3A_140] : memref<2x20480xi32, #tpu.memory_space<vmem>> -> memref<1x20480xi32, #tpu.memory_space<vmem>>
    %dma_start3A_142 = tpu.memref_squeeze %dma_start3A_141 : memref<1x20480xi32, #tpu.memory_space<vmem>> -> memref<20480xi32, #tpu.memory_space<vmem>>
    %dma_start3A_143 = arith.constant 0 : i32
    %dma_start3A_144 = tpu.memref_slice %arg4[%dma_start3A_143] : memref<1000000xf32, #tpu.memory_space<hbm>> -> memref<1000000xf32, #tpu.memory_space<hbm>>
    tpu.enqueue_indirect_dma source(%dma_start3A_144 : memref<1000000xf32, #tpu.memory_space<hbm>>) target(%dma_start3A_139 : memref<20480xf32, #tpu.memory_space<vmem>>) offsets(%dma_start3A_142 : memref<20480xi32, #tpu.memory_space<vmem>>) semaphore(%arg10 : memref<!tpu.dma_semaphore, #tpu.memory_space<semaphore_mem>>)
    %add3A_145 = arith.constant 20480 : i32
    %add3A_146 = arith.addi %mul3A_2, %add3A_145 : i32
    %dma_start3A_147 = arith.constant 1 : i32
    %dma_start3A_148 = arith.constant 0 : i32
    %dma_start3A_149 = tpu.memref_slice %arg8[%dma_start3A_147, %dma_start3A_148] : memref<2x20480xf32, #tpu.memory_space<vmem>> -> memref<1x20480xf32, #tpu.memory_space<vmem>>
    %dma_start3A_150 = tpu.memref_squeeze %dma_start3A_149 : memref<1x20480xf32, #tpu.memory_space<vmem>> -> memref<20480xf32, #tpu.memory_space<vmem>>
    %dma_start3A_151 = tpu.memref_slice %arg5[%add3A_146] : memref<3276800xf32, #tpu.memory_space<hbm>> -> memref<20480xf32, #tpu.memory_space<hbm>>
    %dma_start3A_152 = tpu.memref_slice %arg5[%add3A_146] : memref<3276800xf32, #tpu.memory_space<hbm>> -> memref<20480xf32, #tpu.memory_space<hbm>>
    %dma_start3A_153 = arith.constant 0 : i32
    %dma_start3A_154 = tpu.memref_slice %arg8[%dma_start3A_147, %dma_start3A_153] : memref<2x20480xf32, #tpu.memory_space<vmem>> -> memref<1x20480xf32, #tpu.memory_space<vmem>>
    %dma_start3A_155 = tpu.memref_squeeze %dma_start3A_154 : memref<1x20480xf32, #tpu.memory_space<vmem>> -> memref<20480xf32, #tpu.memory_space<vmem>>
    tpu.enqueue_dma source(%dma_start3A_155 : memref<20480xf32, #tpu.memory_space<vmem>>) target(%dma_start3A_152 : memref<20480xf32, #tpu.memory_space<hbm>>) target_semaphore(%arg13 : memref<!tpu.dma_semaphore, #tpu.memory_space<semaphore_mem>>)
    %dma_start3A_156 = arith.constant 1 : i32
    %dma_start3A_157 = arith.constant 0 : i32
    %dma_start3A_158 = tpu.memref_slice %arg9[%dma_start3A_156, %dma_start3A_157] : memref<2x20480xf32, #tpu.memory_space<vmem>> -> memref<1x20480xf32, #tpu.memory_space<vmem>>
    %dma_start3A_159 = tpu.memref_squeeze %dma_start3A_158 : memref<1x20480xf32, #tpu.memory_space<vmem>> -> memref<20480xf32, #tpu.memory_space<vmem>>
    %dma_start3A_160 = tpu.memref_slice %arg6[%add3A_146] : memref<3276800xf32, #tpu.memory_space<hbm>> -> memref<20480xf32, #tpu.memory_space<hbm>>
    %dma_start3A_161 = tpu.memref_slice %arg6[%add3A_146] : memref<3276800xf32, #tpu.memory_space<hbm>> -> memref<20480xf32, #tpu.memory_space<hbm>>
    %dma_start3A_162 = arith.constant 0 : i32
    %dma_start3A_163 = tpu.memref_slice %arg9[%dma_start3A_156, %dma_start3A_162] : memref<2x20480xf32, #tpu.memory_space<vmem>> -> memref<1x20480xf32, #tpu.memory_space<vmem>>
    %dma_start3A_164 = tpu.memref_squeeze %dma_start3A_163 : memref<1x20480xf32, #tpu.memory_space<vmem>> -> memref<20480xf32, #tpu.memory_space<vmem>>
    tpu.enqueue_dma source(%dma_start3A_164 : memref<20480xf32, #tpu.memory_space<vmem>>) target(%dma_start3A_161 : memref<20480xf32, #tpu.memory_space<hbm>>) target_semaphore(%arg13 : memref<!tpu.dma_semaphore, #tpu.memory_space<semaphore_mem>>)
    %add3A_165 = arith.constant 61440 : i32
    %add3A_166 = arith.addi %mul3A_2, %add3A_165 : i32
    %run_scoped3A_167 = arith.constant 1 : i32
    "tpu.region"() ({
      %run_scoped3A_403 = tpu.sem_alloc : memref<!tpu.dma_semaphore, #tpu.memory_space<semaphore_mem>>
      %dma_start3A_404 = arith.constant 0 : i32
      %dma_start3A_405 = tpu.memref_slice %arg7[%run_scoped3A_167, %dma_start3A_404] : memref<2x20480xi32, #tpu.memory_space<vmem>> -> memref<1x20480xi32, #tpu.memory_space<vmem>>
      %dma_start3A_406 = tpu.memref_squeeze %dma_start3A_405 : memref<1x20480xi32, #tpu.memory_space<vmem>> -> memref<20480xi32, #tpu.memory_space<vmem>>
      %dma_start3A_407 = tpu.memref_slice %arg2[%add3A_166] : memref<3276800xi32, #tpu.memory_space<hbm>> -> memref<20480xi32, #tpu.memory_space<hbm>>
      %dma_start3A_408 = arith.constant 0 : i32
      %dma_start3A_409 = tpu.memref_slice %arg7[%run_scoped3A_167, %dma_start3A_408] : memref<2x20480xi32, #tpu.memory_space<vmem>> -> memref<1x20480xi32, #tpu.memory_space<vmem>>
      %dma_start3A_410 = tpu.memref_squeeze %dma_start3A_409 : memref<1x20480xi32, #tpu.memory_space<vmem>> -> memref<20480xi32, #tpu.memory_space<vmem>>
      %dma_start3A_411 = tpu.memref_slice %arg2[%add3A_166] : memref<3276800xi32, #tpu.memory_space<hbm>> -> memref<20480xi32, #tpu.memory_space<hbm>>
      tpu.enqueue_dma source(%dma_start3A_411 : memref<20480xi32, #tpu.memory_space<hbm>>) target(%dma_start3A_410 : memref<20480xi32, #tpu.memory_space<vmem>>) target_semaphore(%run_scoped3A_403 : memref<!tpu.dma_semaphore, #tpu.memory_space<semaphore_mem>>)
      %dma_wait3A_412 = arith.constant 0 : i32
      %dma_wait3A_413 = tpu.memref_slice %arg7[%run_scoped3A_167, %dma_wait3A_412] : memref<2x20480xi32, #tpu.memory_space<vmem>> -> memref<1x20480xi32, #tpu.memory_space<vmem>>
      %dma_wait3A_414 = tpu.memref_squeeze %dma_wait3A_413 : memref<1x20480xi32, #tpu.memory_space<vmem>> -> memref<20480xi32, #tpu.memory_space<vmem>>
      %dma_wait3A_415 = tpu.memref_slice %arg2[%add3A_166] : memref<3276800xi32, #tpu.memory_space<hbm>> -> memref<20480xi32, #tpu.memory_space<hbm>>
      %dma_wait3A_416 = arith.constant 0 : i32
      %dma_wait3A_417 = tpu.memref_slice %arg7[%run_scoped3A_167, %dma_wait3A_416] : memref<2x20480xi32, #tpu.memory_space<vmem>> -> memref<1x20480xi32, #tpu.memory_space<vmem>>
      %dma_wait3A_418 = tpu.memref_squeeze %dma_wait3A_417 : memref<1x20480xi32, #tpu.memory_space<vmem>> -> memref<20480xi32, #tpu.memory_space<vmem>>
      %dma_wait3A_419 = tpu.memref_slice %arg2[%add3A_166] : memref<3276800xi32, #tpu.memory_space<hbm>> -> memref<20480xi32, #tpu.memory_space<hbm>>
      tpu.wait_dma2 semaphore(%run_scoped3A_403 : memref<!tpu.dma_semaphore, #tpu.memory_space<semaphore_mem>>) src(%dma_wait3A_419 : memref<20480xi32, #tpu.memory_space<hbm>>) dst(%dma_wait3A_418 : memref<20480xi32, #tpu.memory_space<vmem>>)
      tpu.yield
    }) : () -> ()
    %dma_wait3A_168 = arith.constant 1 : i32
    %dma_wait3A_169 = arith.constant 0 : i32
    %dma_wait3A_170 = tpu.memref_slice %arg8[%dma_wait3A_168, %dma_wait3A_169] : memref<2x20480xf32, #tpu.memory_space<vmem>> -> memref<1x20480xf32, #tpu.memory_space<vmem>>
    %dma_wait3A_171 = tpu.memref_squeeze %dma_wait3A_170 : memref<1x20480xf32, #tpu.memory_space<vmem>> -> memref<20480xf32, #tpu.memory_space<vmem>>
    %dma_wait3A_172 = tpu.memref_slice %arg5[%add3A_146] : memref<3276800xf32, #tpu.memory_space<hbm>> -> memref<20480xf32, #tpu.memory_space<hbm>>
    %dma_wait3A_173 = tpu.memref_slice %arg5[%add3A_146] : memref<3276800xf32, #tpu.memory_space<hbm>> -> memref<20480xf32, #tpu.memory_space<hbm>>
    %dma_wait3A_174 = arith.constant 0 : i32
    %dma_wait3A_175 = tpu.memref_slice %arg8[%dma_wait3A_168, %dma_wait3A_174] : memref<2x20480xf32, #tpu.memory_space<vmem>> -> memref<1x20480xf32, #tpu.memory_space<vmem>>
    %dma_wait3A_176 = tpu.memref_squeeze %dma_wait3A_175 : memref<1x20480xf32, #tpu.memory_space<vmem>> -> memref<20480xf32, #tpu.memory_space<vmem>>
    tpu.wait_dma2 semaphore(%arg13 : memref<!tpu.dma_semaphore, #tpu.memory_space<semaphore_mem>>) src(%dma_wait3A_176 : memref<20480xf32, #tpu.memory_space<vmem>>) dst(%dma_wait3A_173 : memref<20480xf32, #tpu.memory_space<hbm>>)
    %dma_wait3A_177 = arith.constant 1 : i32
    %dma_wait3A_178 = arith.constant 0 : i32
    %dma_wait3A_179 = tpu.memref_slice %arg9[%dma_wait3A_177, %dma_wait3A_178] : memref<2x20480xf32, #tpu.memory_space<vmem>> -> memref<1x20480xf32, #tpu.memory_space<vmem>>
    %dma_wait3A_180 = tpu.memref_squeeze %dma_wait3A_179 : memref<1x20480xf32, #tpu.memory_space<vmem>> -> memref<20480xf32, #tpu.memory_space<vmem>>
    %dma_wait3A_181 = tpu.memref_slice %arg6[%add3A_146] : memref<3276800xf32, #tpu.memory_space<hbm>> -> memref<20480xf32, #tpu.memory_space<hbm>>
    %dma_wait3A_182 = tpu.memref_slice %arg6[%add3A_146] : memref<3276800xf32, #tpu.memory_space<hbm>> -> memref<20480xf32, #tpu.memory_space<hbm>>
    %dma_wait3A_183 = arith.constant 0 : i32
    %dma_wait3A_184 = tpu.memref_slice %arg9[%dma_wait3A_177, %dma_wait3A_183] : memref<2x20480xf32, #tpu.memory_space<vmem>> -> memref<1x20480xf32, #tpu.memory_space<vmem>>
    %dma_wait3A_185 = tpu.memref_squeeze %dma_wait3A_184 : memref<1x20480xf32, #tpu.memory_space<vmem>> -> memref<20480xf32, #tpu.memory_space<vmem>>
    tpu.wait_dma2 semaphore(%arg13 : memref<!tpu.dma_semaphore, #tpu.memory_space<semaphore_mem>>) src(%dma_wait3A_185 : memref<20480xf32, #tpu.memory_space<vmem>>) dst(%dma_wait3A_182 : memref<20480xf32, #tpu.memory_space<hbm>>)
    %dma_wait3A_186 = arith.constant 0 : i32
    %dma_wait3A_187 = arith.constant 0 : i32
    %dma_wait3A_188 = arith.constant 0 : i32
    %dma_wait3A_189 = tpu.memref_slice %arg8[%dma_wait3A_187, %dma_wait3A_188] : memref<2x20480xf32, #tpu.memory_space<vmem>> -> memref<1x20480xf32, #tpu.memory_space<vmem>>
    %dma_wait3A_190 = tpu.memref_squeeze %dma_wait3A_189 : memref<1x20480xf32, #tpu.memory_space<vmem>> -> memref<20480xf32, #tpu.memory_space<vmem>>
    %dma_wait3A_191 = arith.constant 0 : i32
    %dma_wait3A_192 = tpu.memref_slice %arg7[%dma_wait3A_186, %dma_wait3A_191] : memref<2x20480xi32, #tpu.memory_space<vmem>> -> memref<1x20480xi32, #tpu.memory_space<vmem>>
    %dma_wait3A_193 = tpu.memref_squeeze %dma_wait3A_192 : memref<1x20480xi32, #tpu.memory_space<vmem>> -> memref<20480xi32, #tpu.memory_space<vmem>>
    %dma_wait3A_194 = arith.constant 0 : i32
    %dma_wait3A_195 = tpu.memref_slice %arg3[%dma_wait3A_194] : memref<1000000xf32, #tpu.memory_space<hbm>> -> memref<1000000xf32, #tpu.memory_space<hbm>>
    tpu.wait_indirect_dma semaphore(%arg10 : memref<!tpu.dma_semaphore, #tpu.memory_space<semaphore_mem>>) src(%dma_wait3A_195 : memref<1000000xf32, #tpu.memory_space<hbm>>) dst(%dma_wait3A_190 : memref<20480xf32, #tpu.memory_space<vmem>>)
    %dma_wait3A_196 = arith.constant 0 : i32
    %dma_wait3A_197 = arith.constant 0 : i32
    %dma_wait3A_198 = arith.constant 0 : i32
    %dma_wait3A_199 = tpu.memref_slice %arg9[%dma_wait3A_197, %dma_wait3A_198] : memref<2x20480xf32, #tpu.memory_space<vmem>> -> memref<1x20480xf32, #tpu.memory_space<vmem>>
    %dma_wait3A_200 = tpu.memref_squeeze %dma_wait3A_199 : memref<1x20480xf32, #tpu.memory_space<vmem>> -> memref<20480xf32, #tpu.memory_space<vmem>>
    %dma_wait3A_201 = arith.constant 0 : i32
    %dma_wait3A_202 = tpu.memref_slice %arg7[%dma_wait3A_196, %dma_wait3A_201] : memref<2x20480xi32, #tpu.memory_space<vmem>> -> memref<1x20480xi32, #tpu.memory_space<vmem>>
    %dma_wait3A_203 = tpu.memref_squeeze %dma_wait3A_202 : memref<1x20480xi32, #tpu.memory_space<vmem>> -> memref<20480xi32, #tpu.memory_space<vmem>>
    %dma_wait3A_204 = arith.constant 0 : i32
    %dma_wait3A_205 = tpu.memref_slice %arg4[%dma_wait3A_204] : memref<1000000xf32, #tpu.memory_space<hbm>> -> memref<1000000xf32, #tpu.memory_space<hbm>>
    tpu.wait_indirect_dma semaphore(%arg10 : memref<!tpu.dma_semaphore, #tpu.memory_space<semaphore_mem>>) src(%dma_wait3A_205 : memref<1000000xf32, #tpu.memory_space<hbm>>) dst(%dma_wait3A_200 : memref<20480xf32, #tpu.memory_space<vmem>>)
    %dma_start3A_206 = arith.constant 1 : i32
    %dma_start3A_207 = arith.constant 1 : i32
    %dma_start3A_208 = arith.constant 0 : i32
    %dma_start3A_209 = tpu.memref_slice %arg8[%dma_start3A_207, %dma_start3A_208] : memref<2x20480xf32, #tpu.memory_space<vmem>> -> memref<1x20480xf32, #tpu.memory_space<vmem>>
    %dma_start3A_210 = tpu.memref_squeeze %dma_start3A_209 : memref<1x20480xf32, #tpu.memory_space<vmem>> -> memref<20480xf32, #tpu.memory_space<vmem>>
    %dma_start3A_211 = arith.constant 0 : i32
    %dma_start3A_212 = tpu.memref_slice %arg7[%dma_start3A_206, %dma_start3A_211] : memref<2x20480xi32, #tpu.memory_space<vmem>> -> memref<1x20480xi32, #tpu.memory_space<vmem>>
    %dma_start3A_213 = tpu.memref_squeeze %dma_start3A_212 : memref<1x20480xi32, #tpu.memory_space<vmem>> -> memref<20480xi32, #tpu.memory_space<vmem>>
    %dma_start3A_214 = arith.constant 0 : i32
    %dma_start3A_215 = tpu.memref_slice %arg3[%dma_start3A_214] : memref<1000000xf32, #tpu.memory_space<hbm>> -> memref<1000000xf32, #tpu.memory_space<hbm>>
    tpu.enqueue_indirect_dma source(%dma_start3A_215 : memref<1000000xf32, #tpu.memory_space<hbm>>) target(%dma_start3A_210 : memref<20480xf32, #tpu.memory_space<vmem>>) offsets(%dma_start3A_213 : memref<20480xi32, #tpu.memory_space<vmem>>) semaphore(%arg11 : memref<!tpu.dma_semaphore, #tpu.memory_space<semaphore_mem>>)
    %dma_start3A_216 = arith.constant 1 : i32
    %dma_start3A_217 = arith.constant 1 : i32
    %dma_start3A_218 = arith.constant 0 : i32
    %dma_start3A_219 = tpu.memref_slice %arg9[%dma_start3A_217, %dma_start3A_218] : memref<2x20480xf32, #tpu.memory_space<vmem>> -> memref<1x20480xf32, #tpu.memory_space<vmem>>
    %dma_start3A_220 = tpu.memref_squeeze %dma_start3A_219 : memref<1x20480xf32, #tpu.memory_space<vmem>> -> memref<20480xf32, #tpu.memory_space<vmem>>
    %dma_start3A_221 = arith.constant 0 : i32
    %dma_start3A_222 = tpu.memref_slice %arg7[%dma_start3A_216, %dma_start3A_221] : memref<2x20480xi32, #tpu.memory_space<vmem>> -> memref<1x20480xi32, #tpu.memory_space<vmem>>
    %dma_start3A_223 = tpu.memref_squeeze %dma_start3A_222 : memref<1x20480xi32, #tpu.memory_space<vmem>> -> memref<20480xi32, #tpu.memory_space<vmem>>
    %dma_start3A_224 = arith.constant 0 : i32
    %dma_start3A_225 = tpu.memref_slice %arg4[%dma_start3A_224] : memref<1000000xf32, #tpu.memory_space<hbm>> -> memref<1000000xf32, #tpu.memory_space<hbm>>
    tpu.enqueue_indirect_dma source(%dma_start3A_225 : memref<1000000xf32, #tpu.memory_space<hbm>>) target(%dma_start3A_220 : memref<20480xf32, #tpu.memory_space<vmem>>) offsets(%dma_start3A_223 : memref<20480xi32, #tpu.memory_space<vmem>>) semaphore(%arg11 : memref<!tpu.dma_semaphore, #tpu.memory_space<semaphore_mem>>)
    %add3A_226 = arith.constant 40960 : i32
    %add3A_227 = arith.addi %mul3A_2, %add3A_226 : i32
    %dma_start3A_228 = arith.constant 0 : i32
    %dma_start3A_229 = arith.constant 0 : i32
    %dma_start3A_230 = tpu.memref_slice %arg8[%dma_start3A_228, %dma_start3A_229] : memref<2x20480xf32, #tpu.memory_space<vmem>> -> memref<1x20480xf32, #tpu.memory_space<vmem>>
    %dma_start3A_231 = tpu.memref_squeeze %dma_start3A_230 : memref<1x20480xf32, #tpu.memory_space<vmem>> -> memref<20480xf32, #tpu.memory_space<vmem>>
    %dma_start3A_232 = tpu.memref_slice %arg5[%add3A_227] : memref<3276800xf32, #tpu.memory_space<hbm>> -> memref<20480xf32, #tpu.memory_space<hbm>>
    %dma_start3A_233 = tpu.memref_slice %arg5[%add3A_227] : memref<3276800xf32, #tpu.memory_space<hbm>> -> memref<20480xf32, #tpu.memory_space<hbm>>
    %dma_start3A_234 = arith.constant 0 : i32
    %dma_start3A_235 = tpu.memref_slice %arg8[%dma_start3A_228, %dma_start3A_234] : memref<2x20480xf32, #tpu.memory_space<vmem>> -> memref<1x20480xf32, #tpu.memory_space<vmem>>
    %dma_start3A_236 = tpu.memref_squeeze %dma_start3A_235 : memref<1x20480xf32, #tpu.memory_space<vmem>> -> memref<20480xf32, #tpu.memory_space<vmem>>
    tpu.enqueue_dma source(%dma_start3A_236 : memref<20480xf32, #tpu.memory_space<vmem>>) target(%dma_start3A_233 : memref<20480xf32, #tpu.memory_space<hbm>>) target_semaphore(%arg12 : memref<!tpu.dma_semaphore, #tpu.memory_space<semaphore_mem>>)
    %dma_start3A_237 = arith.constant 0 : i32
    %dma_start3A_238 = arith.constant 0 : i32
    %dma_start3A_239 = tpu.memref_slice %arg9[%dma_start3A_237, %dma_start3A_238] : memref<2x20480xf32, #tpu.memory_space<vmem>> -> memref<1x20480xf32, #tpu.memory_space<vmem>>
    %dma_start3A_240 = tpu.memref_squeeze %dma_start3A_239 : memref<1x20480xf32, #tpu.memory_space<vmem>> -> memref<20480xf32, #tpu.memory_space<vmem>>
    %dma_start3A_241 = tpu.memref_slice %arg6[%add3A_227] : memref<3276800xf32, #tpu.memory_space<hbm>> -> memref<20480xf32, #tpu.memory_space<hbm>>
    %dma_start3A_242 = tpu.memref_slice %arg6[%add3A_227] : memref<3276800xf32, #tpu.memory_space<hbm>> -> memref<20480xf32, #tpu.memory_space<hbm>>
    %dma_start3A_243 = arith.constant 0 : i32
    %dma_start3A_244 = tpu.memref_slice %arg9[%dma_start3A_237, %dma_start3A_243] : memref<2x20480xf32, #tpu.memory_space<vmem>> -> memref<1x20480xf32, #tpu.memory_space<vmem>>
    %dma_start3A_245 = tpu.memref_squeeze %dma_start3A_244 : memref<1x20480xf32, #tpu.memory_space<vmem>> -> memref<20480xf32, #tpu.memory_space<vmem>>
    tpu.enqueue_dma source(%dma_start3A_245 : memref<20480xf32, #tpu.memory_space<vmem>>) target(%dma_start3A_242 : memref<20480xf32, #tpu.memory_space<hbm>>) target_semaphore(%arg12 : memref<!tpu.dma_semaphore, #tpu.memory_space<semaphore_mem>>)
    %add3A_246 = arith.constant 81920 : i32
    %add3A_247 = arith.addi %mul3A_2, %add3A_246 : i32
    %run_scoped3A_248 = arith.constant 0 : i32
    "tpu.region"() ({
      %run_scoped3A_403 = tpu.sem_alloc : memref<!tpu.dma_semaphore, #tpu.memory_space<semaphore_mem>>
      %dma_start3A_404 = arith.constant 0 : i32
      %dma_start3A_405 = tpu.memref_slice %arg7[%run_scoped3A_248, %dma_start3A_404] : memref<2x20480xi32, #tpu.memory_space<vmem>> -> memref<1x20480xi32, #tpu.memory_space<vmem>>
      %dma_start3A_406 = tpu.memref_squeeze %dma_start3A_405 : memref<1x20480xi32, #tpu.memory_space<vmem>> -> memref<20480xi32, #tpu.memory_space<vmem>>
      %dma_start3A_407 = tpu.memref_slice %arg2[%add3A_247] : memref<3276800xi32, #tpu.memory_space<hbm>> -> memref<20480xi32, #tpu.memory_space<hbm>>
      %dma_start3A_408 = arith.constant 0 : i32
      %dma_start3A_409 = tpu.memref_slice %arg7[%run_scoped3A_248, %dma_start3A_408] : memref<2x20480xi32, #tpu.memory_space<vmem>> -> memref<1x20480xi32, #tpu.memory_space<vmem>>
      %dma_start3A_410 = tpu.memref_squeeze %dma_start3A_409 : memref<1x20480xi32, #tpu.memory_space<vmem>> -> memref<20480xi32, #tpu.memory_space<vmem>>
      %dma_start3A_411 = tpu.memref_slice %arg2[%add3A_247] : memref<3276800xi32, #tpu.memory_space<hbm>> -> memref<20480xi32, #tpu.memory_space<hbm>>
      tpu.enqueue_dma source(%dma_start3A_411 : memref<20480xi32, #tpu.memory_space<hbm>>) target(%dma_start3A_410 : memref<20480xi32, #tpu.memory_space<vmem>>) target_semaphore(%run_scoped3A_403 : memref<!tpu.dma_semaphore, #tpu.memory_space<semaphore_mem>>)
      %dma_wait3A_412 = arith.constant 0 : i32
      %dma_wait3A_413 = tpu.memref_slice %arg7[%run_scoped3A_248, %dma_wait3A_412] : memref<2x20480xi32, #tpu.memory_space<vmem>> -> memref<1x20480xi32, #tpu.memory_space<vmem>>
      %dma_wait3A_414 = tpu.memref_squeeze %dma_wait3A_413 : memref<1x20480xi32, #tpu.memory_space<vmem>> -> memref<20480xi32, #tpu.memory_space<vmem>>
      %dma_wait3A_415 = tpu.memref_slice %arg2[%add3A_247] : memref<3276800xi32, #tpu.memory_space<hbm>> -> memref<20480xi32, #tpu.memory_space<hbm>>
      %dma_wait3A_416 = arith.constant 0 : i32
      %dma_wait3A_417 = tpu.memref_slice %arg7[%run_scoped3A_248, %dma_wait3A_416] : memref<2x20480xi32, #tpu.memory_space<vmem>> -> memref<1x20480xi32, #tpu.memory_space<vmem>>
      %dma_wait3A_418 = tpu.memref_squeeze %dma_wait3A_417 : memref<1x20480xi32, #tpu.memory_space<vmem>> -> memref<20480xi32, #tpu.memory_space<vmem>>
      %dma_wait3A_419 = tpu.memref_slice %arg2[%add3A_247] : memref<3276800xi32, #tpu.memory_space<hbm>> -> memref<20480xi32, #tpu.memory_space<hbm>>
      tpu.wait_dma2 semaphore(%run_scoped3A_403 : memref<!tpu.dma_semaphore, #tpu.memory_space<semaphore_mem>>) src(%dma_wait3A_419 : memref<20480xi32, #tpu.memory_space<hbm>>) dst(%dma_wait3A_418 : memref<20480xi32, #tpu.memory_space<vmem>>)
      tpu.yield
    }) : () -> ()
    %dma_wait3A_249 = arith.constant 0 : i32
    %dma_wait3A_250 = arith.constant 0 : i32
    %dma_wait3A_251 = tpu.memref_slice %arg8[%dma_wait3A_249, %dma_wait3A_250] : memref<2x20480xf32, #tpu.memory_space<vmem>> -> memref<1x20480xf32, #tpu.memory_space<vmem>>
    %dma_wait3A_252 = tpu.memref_squeeze %dma_wait3A_251 : memref<1x20480xf32, #tpu.memory_space<vmem>> -> memref<20480xf32, #tpu.memory_space<vmem>>
    %dma_wait3A_253 = tpu.memref_slice %arg5[%add3A_227] : memref<3276800xf32, #tpu.memory_space<hbm>> -> memref<20480xf32, #tpu.memory_space<hbm>>
    %dma_wait3A_254 = tpu.memref_slice %arg5[%add3A_227] : memref<3276800xf32, #tpu.memory_space<hbm>> -> memref<20480xf32, #tpu.memory_space<hbm>>
    %dma_wait3A_255 = arith.constant 0 : i32
    %dma_wait3A_256 = tpu.memref_slice %arg8[%dma_wait3A_249, %dma_wait3A_255] : memref<2x20480xf32, #tpu.memory_space<vmem>> -> memref<1x20480xf32, #tpu.memory_space<vmem>>
    %dma_wait3A_257 = tpu.memref_squeeze %dma_wait3A_256 : memref<1x20480xf32, #tpu.memory_space<vmem>> -> memref<20480xf32, #tpu.memory_space<vmem>>
    tpu.wait_dma2 semaphore(%arg12 : memref<!tpu.dma_semaphore, #tpu.memory_space<semaphore_mem>>) src(%dma_wait3A_257 : memref<20480xf32, #tpu.memory_space<vmem>>) dst(%dma_wait3A_254 : memref<20480xf32, #tpu.memory_space<hbm>>)
    %dma_wait3A_258 = arith.constant 0 : i32
    %dma_wait3A_259 = arith.constant 0 : i32
    %dma_wait3A_260 = tpu.memref_slice %arg9[%dma_wait3A_258, %dma_wait3A_259] : memref<2x20480xf32, #tpu.memory_space<vmem>> -> memref<1x20480xf32, #tpu.memory_space<vmem>>
    %dma_wait3A_261 = tpu.memref_squeeze %dma_wait3A_260 : memref<1x20480xf32, #tpu.memory_space<vmem>> -> memref<20480xf32, #tpu.memory_space<vmem>>
    %dma_wait3A_262 = tpu.memref_slice %arg6[%add3A_227] : memref<3276800xf32, #tpu.memory_space<hbm>> -> memref<20480xf32, #tpu.memory_space<hbm>>
    %dma_wait3A_263 = tpu.memref_slice %arg6[%add3A_227] : memref<3276800xf32, #tpu.memory_space<hbm>> -> memref<20480xf32, #tpu.memory_space<hbm>>
    %dma_wait3A_264 = arith.constant 0 : i32
    %dma_wait3A_265 = tpu.memref_slice %arg9[%dma_wait3A_258, %dma_wait3A_264] : memref<2x20480xf32, #tpu.memory_space<vmem>> -> memref<1x20480xf32, #tpu.memory_space<vmem>>
    %dma_wait3A_266 = tpu.memref_squeeze %dma_wait3A_265 : memref<1x20480xf32, #tpu.memory_space<vmem>> -> memref<20480xf32, #tpu.memory_space<vmem>>
    tpu.wait_dma2 semaphore(%arg12 : memref<!tpu.dma_semaphore, #tpu.memory_space<semaphore_mem>>) src(%dma_wait3A_266 : memref<20480xf32, #tpu.memory_space<vmem>>) dst(%dma_wait3A_263 : memref<20480xf32, #tpu.memory_space<hbm>>)
    %dma_wait3A_267 = arith.constant 1 : i32
    %dma_wait3A_268 = arith.constant 1 : i32
    %dma_wait3A_269 = arith.constant 0 : i32
    %dma_wait3A_270 = tpu.memref_slice %arg8[%dma_wait3A_268, %dma_wait3A_269] : memref<2x20480xf32, #tpu.memory_space<vmem>> -> memref<1x20480xf32, #tpu.memory_space<vmem>>
    %dma_wait3A_271 = tpu.memref_squeeze %dma_wait3A_270 : memref<1x20480xf32, #tpu.memory_space<vmem>> -> memref<20480xf32, #tpu.memory_space<vmem>>
    %dma_wait3A_272 = arith.constant 0 : i32
    %dma_wait3A_273 = tpu.memref_slice %arg7[%dma_wait3A_267, %dma_wait3A_272] : memref<2x20480xi32, #tpu.memory_space<vmem>> -> memref<1x20480xi32, #tpu.memory_space<vmem>>
    %dma_wait3A_274 = tpu.memref_squeeze %dma_wait3A_273 : memref<1x20480xi32, #tpu.memory_space<vmem>> -> memref<20480xi32, #tpu.memory_space<vmem>>
    %dma_wait3A_275 = arith.constant 0 : i32
    %dma_wait3A_276 = tpu.memref_slice %arg3[%dma_wait3A_275] : memref<1000000xf32, #tpu.memory_space<hbm>> -> memref<1000000xf32, #tpu.memory_space<hbm>>
    tpu.wait_indirect_dma semaphore(%arg11 : memref<!tpu.dma_semaphore, #tpu.memory_space<semaphore_mem>>) src(%dma_wait3A_276 : memref<1000000xf32, #tpu.memory_space<hbm>>) dst(%dma_wait3A_271 : memref<20480xf32, #tpu.memory_space<vmem>>)
    %dma_wait3A_277 = arith.constant 1 : i32
    %dma_wait3A_278 = arith.constant 1 : i32
    %dma_wait3A_279 = arith.constant 0 : i32
    %dma_wait3A_280 = tpu.memref_slice %arg9[%dma_wait3A_278, %dma_wait3A_279] : memref<2x20480xf32, #tpu.memory_space<vmem>> -> memref<1x20480xf32, #tpu.memory_space<vmem>>
    %dma_wait3A_281 = tpu.memref_squeeze %dma_wait3A_280 : memref<1x20480xf32, #tpu.memory_space<vmem>> -> memref<20480xf32, #tpu.memory_space<vmem>>
    %dma_wait3A_282 = arith.constant 0 : i32
    %dma_wait3A_283 = tpu.memref_slice %arg7[%dma_wait3A_277, %dma_wait3A_282] : memref<2x20480xi32, #tpu.memory_space<vmem>> -> memref<1x20480xi32, #tpu.memory_space<vmem>>
    %dma_wait3A_284 = tpu.memref_squeeze %dma_wait3A_283 : memref<1x20480xi32, #tpu.memory_space<vmem>> -> memref<20480xi32, #tpu.memory_space<vmem>>
    %dma_wait3A_285 = arith.constant 0 : i32
    %dma_wait3A_286 = tpu.memref_slice %arg4[%dma_wait3A_285] : memref<1000000xf32, #tpu.memory_space<hbm>> -> memref<1000000xf32, #tpu.memory_space<hbm>>
    tpu.wait_indirect_dma semaphore(%arg11 : memref<!tpu.dma_semaphore, #tpu.memory_space<semaphore_mem>>) src(%dma_wait3A_286 : memref<1000000xf32, #tpu.memory_space<hbm>>) dst(%dma_wait3A_281 : memref<20480xf32, #tpu.memory_space<vmem>>)
    %dma_start3A_287 = arith.constant 0 : i32
    %dma_start3A_288 = arith.constant 0 : i32
    %dma_start3A_289 = arith.constant 0 : i32
    %dma_start3A_290 = tpu.memref_slice %arg8[%dma_start3A_288, %dma_start3A_289] : memref<2x20480xf32, #tpu.memory_space<vmem>> -> memref<1x20480xf32, #tpu.memory_space<vmem>>
    %dma_start3A_291 = tpu.memref_squeeze %dma_start3A_290 : memref<1x20480xf32, #tpu.memory_space<vmem>> -> memref<20480xf32, #tpu.memory_space<vmem>>
    %dma_start3A_292 = arith.constant 0 : i32
    %dma_start3A_293 = tpu.memref_slice %arg7[%dma_start3A_287, %dma_start3A_292] : memref<2x20480xi32, #tpu.memory_space<vmem>> -> memref<1x20480xi32, #tpu.memory_space<vmem>>
    %dma_start3A_294 = tpu.memref_squeeze %dma_start3A_293 : memref<1x20480xi32, #tpu.memory_space<vmem>> -> memref<20480xi32, #tpu.memory_space<vmem>>
    %dma_start3A_295 = arith.constant 0 : i32
    %dma_start3A_296 = tpu.memref_slice %arg3[%dma_start3A_295] : memref<1000000xf32, #tpu.memory_space<hbm>> -> memref<1000000xf32, #tpu.memory_space<hbm>>
    tpu.enqueue_indirect_dma source(%dma_start3A_296 : memref<1000000xf32, #tpu.memory_space<hbm>>) target(%dma_start3A_291 : memref<20480xf32, #tpu.memory_space<vmem>>) offsets(%dma_start3A_294 : memref<20480xi32, #tpu.memory_space<vmem>>) semaphore(%arg10 : memref<!tpu.dma_semaphore, #tpu.memory_space<semaphore_mem>>)
    %dma_start3A_297 = arith.constant 0 : i32
    %dma_start3A_298 = arith.constant 0 : i32
    %dma_start3A_299 = arith.constant 0 : i32
    %dma_start3A_300 = tpu.memref_slice %arg9[%dma_start3A_298, %dma_start3A_299] : memref<2x20480xf32, #tpu.memory_space<vmem>> -> memref<1x20480xf32, #tpu.memory_space<vmem>>
    %dma_start3A_301 = tpu.memref_squeeze %dma_start3A_300 : memref<1x20480xf32, #tpu.memory_space<vmem>> -> memref<20480xf32, #tpu.memory_space<vmem>>
    %dma_start3A_302 = arith.constant 0 : i32
    %dma_start3A_303 = tpu.memref_slice %arg7[%dma_start3A_297, %dma_start3A_302] : memref<2x20480xi32, #tpu.memory_space<vmem>> -> memref<1x20480xi32, #tpu.memory_space<vmem>>
    %dma_start3A_304 = tpu.memref_squeeze %dma_start3A_303 : memref<1x20480xi32, #tpu.memory_space<vmem>> -> memref<20480xi32, #tpu.memory_space<vmem>>
    %dma_start3A_305 = arith.constant 0 : i32
    %dma_start3A_306 = tpu.memref_slice %arg4[%dma_start3A_305] : memref<1000000xf32, #tpu.memory_space<hbm>> -> memref<1000000xf32, #tpu.memory_space<hbm>>
    tpu.enqueue_indirect_dma source(%dma_start3A_306 : memref<1000000xf32, #tpu.memory_space<hbm>>) target(%dma_start3A_301 : memref<20480xf32, #tpu.memory_space<vmem>>) offsets(%dma_start3A_304 : memref<20480xi32, #tpu.memory_space<vmem>>) semaphore(%arg10 : memref<!tpu.dma_semaphore, #tpu.memory_space<semaphore_mem>>)
    %add3A_307 = arith.constant 61440 : i32
    %add3A_308 = arith.addi %mul3A_2, %add3A_307 : i32
    %dma_start3A_309 = arith.constant 1 : i32
    %dma_start3A_310 = arith.constant 0 : i32
    %dma_start3A_311 = tpu.memref_slice %arg8[%dma_start3A_309, %dma_start3A_310] : memref<2x20480xf32, #tpu.memory_space<vmem>> -> memref<1x20480xf32, #tpu.memory_space<vmem>>
    %dma_start3A_312 = tpu.memref_squeeze %dma_start3A_311 : memref<1x20480xf32, #tpu.memory_space<vmem>> -> memref<20480xf32, #tpu.memory_space<vmem>>
    %dma_start3A_313 = tpu.memref_slice %arg5[%add3A_308] : memref<3276800xf32, #tpu.memory_space<hbm>> -> memref<20480xf32, #tpu.memory_space<hbm>>
    %dma_start3A_314 = tpu.memref_slice %arg5[%add3A_308] : memref<3276800xf32, #tpu.memory_space<hbm>> -> memref<20480xf32, #tpu.memory_space<hbm>>
    %dma_start3A_315 = arith.constant 0 : i32
    %dma_start3A_316 = tpu.memref_slice %arg8[%dma_start3A_309, %dma_start3A_315] : memref<2x20480xf32, #tpu.memory_space<vmem>> -> memref<1x20480xf32, #tpu.memory_space<vmem>>
    %dma_start3A_317 = tpu.memref_squeeze %dma_start3A_316 : memref<1x20480xf32, #tpu.memory_space<vmem>> -> memref<20480xf32, #tpu.memory_space<vmem>>
    tpu.enqueue_dma source(%dma_start3A_317 : memref<20480xf32, #tpu.memory_space<vmem>>) target(%dma_start3A_314 : memref<20480xf32, #tpu.memory_space<hbm>>) target_semaphore(%arg13 : memref<!tpu.dma_semaphore, #tpu.memory_space<semaphore_mem>>)
    %dma_start3A_318 = arith.constant 1 : i32
    %dma_start3A_319 = arith.constant 0 : i32
    %dma_start3A_320 = tpu.memref_slice %arg9[%dma_start3A_318, %dma_start3A_319] : memref<2x20480xf32, #tpu.memory_space<vmem>> -> memref<1x20480xf32, #tpu.memory_space<vmem>>
    %dma_start3A_321 = tpu.memref_squeeze %dma_start3A_320 : memref<1x20480xf32, #tpu.memory_space<vmem>> -> memref<20480xf32, #tpu.memory_space<vmem>>
    %dma_start3A_322 = tpu.memref_slice %arg6[%add3A_308] : memref<3276800xf32, #tpu.memory_space<hbm>> -> memref<20480xf32, #tpu.memory_space<hbm>>
    %dma_start3A_323 = tpu.memref_slice %arg6[%add3A_308] : memref<3276800xf32, #tpu.memory_space<hbm>> -> memref<20480xf32, #tpu.memory_space<hbm>>
    %dma_start3A_324 = arith.constant 0 : i32
    %dma_start3A_325 = tpu.memref_slice %arg9[%dma_start3A_318, %dma_start3A_324] : memref<2x20480xf32, #tpu.memory_space<vmem>> -> memref<1x20480xf32, #tpu.memory_space<vmem>>
    %dma_start3A_326 = tpu.memref_squeeze %dma_start3A_325 : memref<1x20480xf32, #tpu.memory_space<vmem>> -> memref<20480xf32, #tpu.memory_space<vmem>>
    tpu.enqueue_dma source(%dma_start3A_326 : memref<20480xf32, #tpu.memory_space<vmem>>) target(%dma_start3A_323 : memref<20480xf32, #tpu.memory_space<hbm>>) target_semaphore(%arg13 : memref<!tpu.dma_semaphore, #tpu.memory_space<semaphore_mem>>)
    %dma_wait3A_327 = arith.constant 1 : i32
    %dma_wait3A_328 = arith.constant 0 : i32
    %dma_wait3A_329 = tpu.memref_slice %arg8[%dma_wait3A_327, %dma_wait3A_328] : memref<2x20480xf32, #tpu.memory_space<vmem>> -> memref<1x20480xf32, #tpu.memory_space<vmem>>
    %dma_wait3A_330 = tpu.memref_squeeze %dma_wait3A_329 : memref<1x20480xf32, #tpu.memory_space<vmem>> -> memref<20480xf32, #tpu.memory_space<vmem>>
    %dma_wait3A_331 = tpu.memref_slice %arg5[%add3A_308] : memref<3276800xf32, #tpu.memory_space<hbm>> -> memref<20480xf32, #tpu.memory_space<hbm>>
    %dma_wait3A_332 = tpu.memref_slice %arg5[%add3A_308] : memref<3276800xf32, #tpu.memory_space<hbm>> -> memref<20480xf32, #tpu.memory_space<hbm>>
    %dma_wait3A_333 = arith.constant 0 : i32
    %dma_wait3A_334 = tpu.memref_slice %arg8[%dma_wait3A_327, %dma_wait3A_333] : memref<2x20480xf32, #tpu.memory_space<vmem>> -> memref<1x20480xf32, #tpu.memory_space<vmem>>
    %dma_wait3A_335 = tpu.memref_squeeze %dma_wait3A_334 : memref<1x20480xf32, #tpu.memory_space<vmem>> -> memref<20480xf32, #tpu.memory_space<vmem>>
    tpu.wait_dma2 semaphore(%arg13 : memref<!tpu.dma_semaphore, #tpu.memory_space<semaphore_mem>>) src(%dma_wait3A_335 : memref<20480xf32, #tpu.memory_space<vmem>>) dst(%dma_wait3A_332 : memref<20480xf32, #tpu.memory_space<hbm>>)
    %dma_wait3A_336 = arith.constant 1 : i32
    %dma_wait3A_337 = arith.constant 0 : i32
    %dma_wait3A_338 = tpu.memref_slice %arg9[%dma_wait3A_336, %dma_wait3A_337] : memref<2x20480xf32, #tpu.memory_space<vmem>> -> memref<1x20480xf32, #tpu.memory_space<vmem>>
    %dma_wait3A_339 = tpu.memref_squeeze %dma_wait3A_338 : memref<1x20480xf32, #tpu.memory_space<vmem>> -> memref<20480xf32, #tpu.memory_space<vmem>>
    %dma_wait3A_340 = tpu.memref_slice %arg6[%add3A_308] : memref<3276800xf32, #tpu.memory_space<hbm>> -> memref<20480xf32, #tpu.memory_space<hbm>>
    %dma_wait3A_341 = tpu.memref_slice %arg6[%add3A_308] : memref<3276800xf32, #tpu.memory_space<hbm>> -> memref<20480xf32, #tpu.memory_space<hbm>>
    %dma_wait3A_342 = arith.constant 0 : i32
    %dma_wait3A_343 = tpu.memref_slice %arg9[%dma_wait3A_336, %dma_wait3A_342] : memref<2x20480xf32, #tpu.memory_space<vmem>> -> memref<1x20480xf32, #tpu.memory_space<vmem>>
    %dma_wait3A_344 = tpu.memref_squeeze %dma_wait3A_343 : memref<1x20480xf32, #tpu.memory_space<vmem>> -> memref<20480xf32, #tpu.memory_space<vmem>>
    tpu.wait_dma2 semaphore(%arg13 : memref<!tpu.dma_semaphore, #tpu.memory_space<semaphore_mem>>) src(%dma_wait3A_344 : memref<20480xf32, #tpu.memory_space<vmem>>) dst(%dma_wait3A_341 : memref<20480xf32, #tpu.memory_space<hbm>>)
    %dma_wait3A_345 = arith.constant 0 : i32
    %dma_wait3A_346 = arith.constant 0 : i32
    %dma_wait3A_347 = arith.constant 0 : i32
    %dma_wait3A_348 = tpu.memref_slice %arg8[%dma_wait3A_346, %dma_wait3A_347] : memref<2x20480xf32, #tpu.memory_space<vmem>> -> memref<1x20480xf32, #tpu.memory_space<vmem>>
    %dma_wait3A_349 = tpu.memref_squeeze %dma_wait3A_348 : memref<1x20480xf32, #tpu.memory_space<vmem>> -> memref<20480xf32, #tpu.memory_space<vmem>>
    %dma_wait3A_350 = arith.constant 0 : i32
    %dma_wait3A_351 = tpu.memref_slice %arg7[%dma_wait3A_345, %dma_wait3A_350] : memref<2x20480xi32, #tpu.memory_space<vmem>> -> memref<1x20480xi32, #tpu.memory_space<vmem>>
    %dma_wait3A_352 = tpu.memref_squeeze %dma_wait3A_351 : memref<1x20480xi32, #tpu.memory_space<vmem>> -> memref<20480xi32, #tpu.memory_space<vmem>>
    %dma_wait3A_353 = arith.constant 0 : i32
    %dma_wait3A_354 = tpu.memref_slice %arg3[%dma_wait3A_353] : memref<1000000xf32, #tpu.memory_space<hbm>> -> memref<1000000xf32, #tpu.memory_space<hbm>>
    tpu.wait_indirect_dma semaphore(%arg10 : memref<!tpu.dma_semaphore, #tpu.memory_space<semaphore_mem>>) src(%dma_wait3A_354 : memref<1000000xf32, #tpu.memory_space<hbm>>) dst(%dma_wait3A_349 : memref<20480xf32, #tpu.memory_space<vmem>>)
    %dma_wait3A_355 = arith.constant 0 : i32
    %dma_wait3A_356 = arith.constant 0 : i32
    %dma_wait3A_357 = arith.constant 0 : i32
    %dma_wait3A_358 = tpu.memref_slice %arg9[%dma_wait3A_356, %dma_wait3A_357] : memref<2x20480xf32, #tpu.memory_space<vmem>> -> memref<1x20480xf32, #tpu.memory_space<vmem>>
    %dma_wait3A_359 = tpu.memref_squeeze %dma_wait3A_358 : memref<1x20480xf32, #tpu.memory_space<vmem>> -> memref<20480xf32, #tpu.memory_space<vmem>>
    %dma_wait3A_360 = arith.constant 0 : i32
    %dma_wait3A_361 = tpu.memref_slice %arg7[%dma_wait3A_355, %dma_wait3A_360] : memref<2x20480xi32, #tpu.memory_space<vmem>> -> memref<1x20480xi32, #tpu.memory_space<vmem>>
    %dma_wait3A_362 = tpu.memref_squeeze %dma_wait3A_361 : memref<1x20480xi32, #tpu.memory_space<vmem>> -> memref<20480xi32, #tpu.memory_space<vmem>>
    %dma_wait3A_363 = arith.constant 0 : i32
    %dma_wait3A_364 = tpu.memref_slice %arg4[%dma_wait3A_363] : memref<1000000xf32, #tpu.memory_space<hbm>> -> memref<1000000xf32, #tpu.memory_space<hbm>>
    tpu.wait_indirect_dma semaphore(%arg10 : memref<!tpu.dma_semaphore, #tpu.memory_space<semaphore_mem>>) src(%dma_wait3A_364 : memref<1000000xf32, #tpu.memory_space<hbm>>) dst(%dma_wait3A_359 : memref<20480xf32, #tpu.memory_space<vmem>>)
    %add3A_365 = arith.constant 81920 : i32
    %add3A_366 = arith.addi %mul3A_2, %add3A_365 : i32
    %dma_start3A_367 = arith.constant 0 : i32
    %dma_start3A_368 = arith.constant 0 : i32
    %dma_start3A_369 = tpu.memref_slice %arg8[%dma_start3A_367, %dma_start3A_368] : memref<2x20480xf32, #tpu.memory_space<vmem>> -> memref<1x20480xf32, #tpu.memory_space<vmem>>
    %dma_start3A_370 = tpu.memref_squeeze %dma_start3A_369 : memref<1x20480xf32, #tpu.memory_space<vmem>> -> memref<20480xf32, #tpu.memory_space<vmem>>
    %dma_start3A_371 = tpu.memref_slice %arg5[%add3A_366] : memref<3276800xf32, #tpu.memory_space<hbm>> -> memref<20480xf32, #tpu.memory_space<hbm>>
    %dma_start3A_372 = tpu.memref_slice %arg5[%add3A_366] : memref<3276800xf32, #tpu.memory_space<hbm>> -> memref<20480xf32, #tpu.memory_space<hbm>>
    %dma_start3A_373 = arith.constant 0 : i32
    %dma_start3A_374 = tpu.memref_slice %arg8[%dma_start3A_367, %dma_start3A_373] : memref<2x20480xf32, #tpu.memory_space<vmem>> -> memref<1x20480xf32, #tpu.memory_space<vmem>>
    %dma_start3A_375 = tpu.memref_squeeze %dma_start3A_374 : memref<1x20480xf32, #tpu.memory_space<vmem>> -> memref<20480xf32, #tpu.memory_space<vmem>>
    tpu.enqueue_dma source(%dma_start3A_375 : memref<20480xf32, #tpu.memory_space<vmem>>) target(%dma_start3A_372 : memref<20480xf32, #tpu.memory_space<hbm>>) target_semaphore(%arg12 : memref<!tpu.dma_semaphore, #tpu.memory_space<semaphore_mem>>)
    %dma_start3A_376 = arith.constant 0 : i32
    %dma_start3A_377 = arith.constant 0 : i32
    %dma_start3A_378 = tpu.memref_slice %arg9[%dma_start3A_376, %dma_start3A_377] : memref<2x20480xf32, #tpu.memory_space<vmem>> -> memref<1x20480xf32, #tpu.memory_space<vmem>>
    %dma_start3A_379 = tpu.memref_squeeze %dma_start3A_378 : memref<1x20480xf32, #tpu.memory_space<vmem>> -> memref<20480xf32, #tpu.memory_space<vmem>>
    %dma_start3A_380 = tpu.memref_slice %arg6[%add3A_366] : memref<3276800xf32, #tpu.memory_space<hbm>> -> memref<20480xf32, #tpu.memory_space<hbm>>
    %dma_start3A_381 = tpu.memref_slice %arg6[%add3A_366] : memref<3276800xf32, #tpu.memory_space<hbm>> -> memref<20480xf32, #tpu.memory_space<hbm>>
    %dma_start3A_382 = arith.constant 0 : i32
    %dma_start3A_383 = tpu.memref_slice %arg9[%dma_start3A_376, %dma_start3A_382] : memref<2x20480xf32, #tpu.memory_space<vmem>> -> memref<1x20480xf32, #tpu.memory_space<vmem>>
    %dma_start3A_384 = tpu.memref_squeeze %dma_start3A_383 : memref<1x20480xf32, #tpu.memory_space<vmem>> -> memref<20480xf32, #tpu.memory_space<vmem>>
    tpu.enqueue_dma source(%dma_start3A_384 : memref<20480xf32, #tpu.memory_space<vmem>>) target(%dma_start3A_381 : memref<20480xf32, #tpu.memory_space<hbm>>) target_semaphore(%arg12 : memref<!tpu.dma_semaphore, #tpu.memory_space<semaphore_mem>>)
    %dma_wait3A_385 = arith.constant 0 : i32
    %dma_wait3A_386 = arith.constant 0 : i32
    %dma_wait3A_387 = tpu.memref_slice %arg8[%dma_wait3A_385, %dma_wait3A_386] : memref<2x20480xf32, #tpu.memory_space<vmem>> -> memref<1x20480xf32, #tpu.memory_space<vmem>>
    %dma_wait3A_388 = tpu.memref_squeeze %dma_wait3A_387 : memref<1x20480xf32, #tpu.memory_space<vmem>> -> memref<20480xf32, #tpu.memory_space<vmem>>
    %dma_wait3A_389 = tpu.memref_slice %arg5[%add3A_366] : memref<3276800xf32, #tpu.memory_space<hbm>> -> memref<20480xf32, #tpu.memory_space<hbm>>
    %dma_wait3A_390 = tpu.memref_slice %arg5[%add3A_366] : memref<3276800xf32, #tpu.memory_space<hbm>> -> memref<20480xf32, #tpu.memory_space<hbm>>
    %dma_wait3A_391 = arith.constant 0 : i32
    %dma_wait3A_392 = tpu.memref_slice %arg8[%dma_wait3A_385, %dma_wait3A_391] : memref<2x20480xf32, #tpu.memory_space<vmem>> -> memref<1x20480xf32, #tpu.memory_space<vmem>>
    %dma_wait3A_393 = tpu.memref_squeeze %dma_wait3A_392 : memref<1x20480xf32, #tpu.memory_space<vmem>> -> memref<20480xf32, #tpu.memory_space<vmem>>
    tpu.wait_dma2 semaphore(%arg12 : memref<!tpu.dma_semaphore, #tpu.memory_space<semaphore_mem>>) src(%dma_wait3A_393 : memref<20480xf32, #tpu.memory_space<vmem>>) dst(%dma_wait3A_390 : memref<20480xf32, #tpu.memory_space<hbm>>)
    %dma_wait3A_394 = arith.constant 0 : i32
    %dma_wait3A_395 = arith.constant 0 : i32
    %dma_wait3A_396 = tpu.memref_slice %arg9[%dma_wait3A_394, %dma_wait3A_395] : memref<2x20480xf32, #tpu.memory_space<vmem>> -> memref<1x20480xf32, #tpu.memory_space<vmem>>
    %dma_wait3A_397 = tpu.memref_squeeze %dma_wait3A_396 : memref<1x20480xf32, #tpu.memory_space<vmem>> -> memref<20480xf32, #tpu.memory_space<vmem>>
    %dma_wait3A_398 = tpu.memref_slice %arg6[%add3A_366] : memref<3276800xf32, #tpu.memory_space<hbm>> -> memref<20480xf32, #tpu.memory_space<hbm>>
    %dma_wait3A_399 = tpu.memref_slice %arg6[%add3A_366] : memref<3276800xf32, #tpu.memory_space<hbm>> -> memref<20480xf32, #tpu.memory_space<hbm>>
    %dma_wait3A_400 = arith.constant 0 : i32
    %dma_wait3A_401 = tpu.memref_slice %arg9[%dma_wait3A_394, %dma_wait3A_400] : memref<2x20480xf32, #tpu.memory_space<vmem>> -> memref<1x20480xf32, #tpu.memory_space<vmem>>
    %dma_wait3A_402 = tpu.memref_squeeze %dma_wait3A_401 : memref<1x20480xf32, #tpu.memory_space<vmem>> -> memref<20480xf32, #tpu.memory_space<vmem>>
    tpu.wait_dma2 semaphore(%arg12 : memref<!tpu.dma_semaphore, #tpu.memory_space<semaphore_mem>>) src(%dma_wait3A_402 : memref<20480xf32, #tpu.memory_space<vmem>>) dst(%dma_wait3A_399 : memref<20480xf32, #tpu.memory_space<hbm>>)
    return
  }
}

</mosaic_0001>

<sc_bundles>
// kernel: kernel.3.cloned.1.call-start
scs
__scs_entry_jumppad:
0x0: {  	(pc) =	sbr.rel $0x88, $3  }
0x1: {  	(tag) =	ssettag $0x0;
	lr =	simm.s32 $0x1  }
0x2: {  	[smem:$0x3F9F] =	sst lr;
	_ =	strace $0xD0000000  }
0x3: {  	_ = 	snop  }
0x4: {  	_ = 	snop  }
0x5: {  	_ = 	snop  }
0x6: {  	_ = 	snop  }
0x7: {  	_ = 	snop  }
__scs_overlays_trampoline_lowered:
0x8: {  	[smem:$0x3FAE] =	sst s0  }
0x9: {  	[smem:$0x3FAF] =	sst s1  }
0xa: {  	[smem:$0x3FB0] =	sst s2  }
0xb: {  	[smem:$0x3FB1] =	sst s3  }
0xc: {  	[smem:$0x3FB2] =	sst s4  }
0xd: {  	[smem:$0x3FB3] =	sst s5  }
0xe: {  	[smem:$0x3FB4] =	sst s6  }
0xf: {  	[smem:$0x3FB5] =	sst s7  }
0x10: {  	[smem:$0x3FB6] =	sst s8  }
0x11: {  	[smem:$0x3FB7] =	sst s9;
	s0 =	simm.s32 @!p0 $0x0  }
0x12: {  	s1 =	sld [smem:$0x3F9D];
	s0 =	simm.s32 @p0 $0x1  }
0x13: {  	[smem:$0x3FB8] =	sst s0;
	s0 =	simm.s32 @!p1 $0x0  }
0x14: {  	s2 =	sld [smem:$0x3F9C];
	s0 =	simm.s32 @p1 $0x1  }
0x15: {  	[smem:$0x3FB9] =	sst s0;
	s0 =	simm.s32 @!p2 $0x0  }
0x16: {  	s3 =	sld [smem:$0x3FDB];
	s0 =	simm.s32 @p2 $0x1  }
0x17: {  	s4 =	simm.s32 $0x1BF5;
	[smem:$0x3FBB] =	sst s0  }
0x18: {  	s0 =	sld [smem:$0x3F9E];
	_ =	swait.ge [sflag:s4], $0x0  }
0x19: {  	s7 =	sld [smem:$0x3F9F]  }
0x1a: {  	s8 =	sadd.s32 $0xFFFFE003, lr  }
0x1b: {  	s9 =	sadd.s32 $0xFFFFFEF7, lr;
	s5 =	simm.s32 $0xFFFFFFFF;
	p2 =	slt.u32 s8, $0xFFFFF086  }
0x1c: {  	p1 =	slt.u32 s9, $0xF7A;
	s5 =	simm.s32 @!p2 $0x0  }
0x1d: {  	s5 =	simm.s32 @p1 $0x1;
	p0 =	seq.s32 s7, s2  }
0x1e: {  	s7 =	smul.u32 @!p0 $0xF7A, s2;
	p2 =	seq.s32 @!p0 s5, $0x0  }
0x1f: {  	s9 =	smul.u32 $0xF7A, s1;
	s8 =	simm.s32 @!p0 $0x1BF5;
	p2 =	por !p2, p0  }
0x20: {  	[sflag:s8] =	ssyncset.s32 @!p0 $0xFFFFF086;
	s6 =	sadd.s32 @!p0 s3, s7;
	s7 =	simm.s32 @!p0 $0x108  }
0x21: {  	s3 =	sadd.s32 s3, s9;
	s6 =	sadd.s32 @!p0 $0x88, s6;
	s7 =	simm.s32 @p2 $0x1082  }
0x22: {  	[simem:s7], [sflag:s8] =	dma.local @!p0 [hbm:s6], $0xF7A  }
0x23: {  	s9 =	sor.u32 $0xD0000000, s2;
	s6 =	simm.s32 $0x108;
	_ =	swait.ge @!p0 [sflag:s8], $0x0  }
0x24: {  	s3 =	sadd.s32 $0x88, s3;
	s6 =	simm.s32 @!p1 $0x1082;
	[sflag:s4] =	ssyncset.s32 $0xFFFFF086  }
0x25: {  	[simem:s6], [sflag:s4] =	dma.local [hbm:s3], $0xF7A  }
0x26: {  	[smem:$0x3F9F] =	sst s1;
	(tag) =	ssettag s2;
	_ =	strace s9  }
0x27: {  	s1 =	sld [smem:$0x3FAF]  }
0x28: {  	s2 =	sld [smem:$0x3FB0]  }
0x29: {  	s4 =	sld [smem:$0x3FB2]  }
0x2a: {  	p0 =	seq.s32 s5, $0x0;
	s5 =	sld [smem:$0x3FB3]  }
0x2b: {  	s6 =	sld [smem:$0x3FB4]  }
0x2c: {  	s7 =	sld [smem:$0x3FB5]  }
0x2d: {  	s3 =	simm.s32 $0x108;
	s8 =	sld [smem:$0x3FB6]  }
0x2e: {  	s3 =	simm.s32 @!p0 $0x1082;
	s9 =	sld [smem:$0x3FB7]  }
0x2f: {  	lr =	sadd.s32 s0, s3;
	s0 =	sld [smem:$0x3FAE]  }
0x30: {  	s3 =	sld [smem:$0x3FB1]  }
0x31: {  	[smem:$0x3FBA] =	sst s10  }
0x32: {  	s10 =	sld [smem:$0x3FB8];
	_ =	sdelay $0x3  }
0x33: {  	p0 =	seq.s32 s10, $0x1;
	s10 =	sld [smem:$0x3FBA];
	_ =	sdelay $0x3  }
0x34: {  	[smem:$0x3FBA] =	sst s10  }
0x35: {  	s10 =	sld [smem:$0x3FB9];
	_ =	sdelay $0x3  }
0x36: {  	p1 =	seq.s32 s10, $0x1;
	s10 =	sld [smem:$0x3FBA];
	_ =	sdelay $0x3  }
0x37: {  	[smem:$0x3FBA] =	sst s10  }
0x38: {  	s10 =	sld [smem:$0x3FBB]  }
0x39: {  	_ = 	snop;
	(pc) =	sbr.ind lr, $3  }
0x3a: {  	_ = 	snop  }
0x3b: {  	_ = 	snop  }
0x3c: {  	p2 =	seq.s32 s10, $0x1;
	s10 =	sld [smem:$0x3FBA]  }
0x3d: {  	_ =	shalt  }
0x3e: {  	_ =	shalt  }
0x3f: {  	_ =	shalt  }
0x40: {  	_ =	shalt  }
0x41: {  	_ =	shalt  }
0x42: {  	_ =	shalt  }
0x43: {  	_ =	shalt  }
0x44: {  	_ =	shalt  }
0x45: {  	_ =	shalt  }
0x46: {  	_ =	shalt  }
0x47: {  	_ =	shalt  }
0x48: {  	_ =	shalt  }
0x49: {  	_ =	shalt  }
0x4a: {  	_ =	shalt  }
0x4b: {  	_ =	shalt  }
0x4c: {  	_ =	shalt  }
0x4d: {  	_ =	shalt  }
0x4e: {  	_ =	shalt  }
0x4f: {  	_ =	shalt  }
0x50: {  	_ =	shalt  }
0x51: {  	_ =	shalt  }
0x52: {  	_ =	shalt  }
0x53: {  	_ =	shalt  }
0x54: {  	_ =	shalt  }
0x55: {  	_ =	shalt  }
0x56: {  	_ =	shalt  }
0x57: {  	_ =	shalt  }
0x58: {  	_ =	shalt  }
0x59: {  	_ =	shalt  }
0x5a: {  	_ =	shalt  }
0x5b: {  	_ =	shalt  }
0x5c: {  	_ =	shalt  }
0x5d: {  	_ =	shalt  }
0x5e: {  	_ =	shalt  }
0x5f: {  	_ =	shalt  }
0x60: {  	_ =	shalt  }
0x61: {  	_ =	shalt  }
0x62: {  	_ =	shalt  }
0x63: {  	_ =	shalt  }
0x64: {  	_ =	shalt  }
0x65: {  	_ =	shalt  }
0x66: {  	_ =	shalt  }
0x67: {  	_ =	shalt  }
0x68: {  	_ =	shalt  }
0x69: {  	_ =	shalt  }
0x6a: {  	_ =	shalt  }
0x6b: {  	_ =	shalt  }
0x6c: {  	_ =	shalt  }
0x6d: {  	_ =	shalt  }
0x6e: {  	_ =	shalt  }
0x6f: {  	_ =	shalt  }
0x70: {  	_ =	shalt  }
0x71: {  	_ =	shalt  }
0x72: {  	_ =	shalt  }
0x73: {  	_ =	shalt  }
0x74: {  	_ =	shalt  }
0x75: {  	_ =	shalt  }
0x76: {  	_ =	shalt  }
0x77: {  	_ =	shalt  }
0x78: {  	_ =	shalt  }
0x79: {  	_ =	shalt  }
0x7a: {  	_ =	shalt  }
0x7b: {  	_ =	shalt  }
0x7c: {  	_ =	shalt  }
0x7d: {  	_ =	shalt  }
0x7e: {  	_ =	shalt  }
0x7f: {  	_ =	shalt  }
0x80: {  	_ =	shalt  }
0x81: {  	_ =	shalt  }
0x82: {  	_ =	shalt  }
0x83: {  	_ =	shalt  }
0x84: {  	_ =	shalt  }
0x85: {  	_ =	shalt  }
0x86: {  	_ =	shalt  }
0x87: {  	_ =	shalt  }
.Lfunc_end0:
.L_simem_size_0:
called_computation_lowered:
.L_overlay_start_0:
0x88: {  	s2 =	sld [smem:$0x3FD9]  }
0x89: {  	s3 =	sld [smem:$0x3FFE];
	_ =	sdelay $0x1  }
0x8a: {  	s1 =	srdreg.scid  }
0x8b: {  	s0 =	sand.u32 $0x1, s1  }
0x8c: {  	s17 =	sshll.u32 s0, $0xA;
	s2 =	sadd.s32 s3, s2  }
0x8d: {  	s2 =	sadd.s32 s2, s17  }
0x8e: {  	[smem:$0x3FC6] =	sst s2  }
0x8f: {  	_ = 	snop  }
0x90: {  	s2 =	sld [smem:$0x3FD0];
	(tm) =	ssettm $0x1  }
0x91: {  	s18 =	sld [smem:$0x3FFB];
	_ =	sdelay $0x3  }
0x92: {  	_ =	strace s18  }
0x93: {  	s3 =	sld [smem:$0x3FFC];
	_ =	sdelay $0x3  }
0x94: {  	_ =	strace s3  }
0x95: {  	s3 =	sld [smem:$0x3FFD];
	_ =	sdelay $0x3  }
0x96: {  	_ =	strace s3  }
0x97: {  	_ =	strace $0x8FFFFFFF  }
0x98: {  	s19 =	sld [smem:$0x3FDB];
	_ =	sdelay $0x1  }
0x99: {  	s4 =	simm.s32 $_scs_section_size  }
0x9a: {  	s5 =	simm.s32 $_size__tile_overlayer_lowered;
	s6 =	simm.s32 $_tile_overlayer_lowered  }
0x9b: {  	s22 =	simm.s32 $0x1BFF;
	s21 =	sshll.u32 s6, $0x1;
	s3 =	sadd.s32 s4, s19  }
0x9c: {  	s7 =	simm.s32 $0x0;
	s20 =	sshll.u32 s5, $0x1;
	s5 =	sadd.s32 s21, s3  }
0x9d: {  	[timem:s7], [sflag:s22] =	dma.local [hbm:s5], s20  }
0x9e: {  	_ =	swait.ge [sflag:s22], s20  }
0x9f: {  	s4 =	ssub.s32 $0x0, s20;
	[sflag:s22] =	ssyncset.done $0x0  }
0xa0: {  	[sflag:s22] =	ssyncadd.s32 s4;
	_ =	sdelay $0x1  }
0xa1: {  	s23 =	simm.s32 $0x1B8B  }
0xa2: {  	_ =	swait.ge [sflag:s23], $0x1  }
0xa3: {  	[sflag:s23] =	ssyncset.done $0x0  }
0xa4: {  	s25 =	simm.s32 $0x1B8E;
	s24 =	sld [smem:$0x3FFE];
	[sflag:s23] =	ssyncadd.s32 $0xFFFFFFFF  }
0xa5: {  	s26 =	simm.s32 $execute0_lowered;
	[smem:$0x3FD2] =	sst s25  }
0xa6: {  	s5 =	sshll.u32 s26, $0x1;
	_ =	strace $0x80000046;
	[dreg:$0x1] =	wrdreg $0xFFFFFFFF  }
0xa7: {  	s28 =	simm.s32 $_size_execute0_lowered;
	s3 =	sadd.s32 s3, s5;
	[dreg:$0x0] =	wrdreg $0x0  }
0xa8: {  	s5 =	sshll.u32 s28, $0x1;
	[dreg:$0x2] =	wrdreg s3  }
0xa9: {  	[dreg:$0x3] =	wrdreg s5  }
0xaa: {  	[dreg:$0x4] =	wrdreg $0xC0  }
0xab: {  	_ =	task [dreg:s7], $0x5FFFF  }
0xac: {  	[dreg:$0x1] =	wrdreg $0xFFFFFFFF  }
0xad: {  	[dreg:$0x0] =	wrdreg $0x60  }
0xae: {  	[dreg:$0x2] =	wrdreg s2  }
0xaf: {  	[dreg:$0x3] =	wrdreg s24  }
0xb0: {  	[dreg:$0x4] =	wrdreg $0x9  }
0xb1: {  	_ =	task.clear_ibuf [dreg:s7], $0x5FFFF;
	_ =	strace $0x90000046  }
0xb2: {  	s29 =	simm.s32 $0x9;
	_ =	strace $0x80000048  }
0xb3: {  	_ =	swait.ge [sflag:s29], $0x1  }
0xb4: {  	[sflag:s29] =	ssyncadd.s32 $0xFFFFFFFF  }
0xb5: {  	_ =	strace $0x90000048  }
0xb6: {  	_ =	sfence  }
0xb7: {  	s30 =	sld [smem:$0x0];
	_ =	sdelay $0x2  }
0xb8: {  	s31 =	sshll.u32 s1, $0xD;
	s1 =	sshrl.u32 s1, $0x2  }
0xb9: {  	s3 =	sand.u32 $0x4000, s31;
	s1 =	sadd.s32 s1, s30  }
0xba: {  	s0 =	sor.u32 s3, s0;
	s1 =	sshll.u32 s1, $0x11  }
0xbb: {  	s0 =	sor.u32 s1, s0  }
0xbc: {  	s0 =	sadd.s32 $0x8F2B, s0  }
0xbd: {  	[sflag:s0] =	ssyncadd.remote.s32 $0x1  }
0xbe: {  	_ =	sfence.sel $0xFFFF  }
0xbf: {  	[dreg:$0x0] =	wrdreg $0xFFFFFFFF;
	(pc) =	sbr.abs _section_cstart, $3  }
0xc0: {  	[dreg:$0x1] =	wrdreg $0xFFFFFFFF  }
0xc1: {  	_ =	task.clear_ibuf [dreg:s7], $0x2FFFF;
	_ =	strace $0x9FFFFFFF  }
0xc2: {  	(tm) =	ssettm $0x7FFFFFFF  }
0xc3: {  	_ =	shalt  }
tec
execute0_lowered:
.L_overlay_start_1:
0x0: {  	(tag) =	ssettag $0x1  }
0x1: {  	s1 =	srdreg.scid;
	s0 =	stileid.u32  }
0x2: {  	s31 =	sand.u32 $0x1, s1;
	s26 =	sshll.u32 s0, $0x1  }
0x3: {  	s1 =	sor.u32 s31, s26  }
0x4: {  	s25 =	rddreg [dreg:$0x0];
	s3 =	smul.u32 $0x19000, s1  }
0x5: {  	s14 =	rddreg [dreg:$0x1];
	s2 =	simm.s32 $0x0  }
0x6: {  	[smem:$0x7FF] =	sst s2;
	s26 =	sshrl.u32 s3, $0x3  }
0x7: {  	s4 =	simm.s32 $0x5;
	_ =	strace $0x80000047;
	s3 =	sadd.s32 s25, s26  }
0x8: {  	[tilespmem:s2], [sflag:$0x5] =	stream.linear.gather [hbm4b:s3+s2], $0x5000, $0x38;
	[tilespmem:$0x1E000] =	vst v63  }
0x9: {  	_ =	swait.ge [sflag:s4], $0x5000  }
0xa: {  	s6 =	simm.s32 $0x5000;
	[sflag:s4] =	ssyncset.done $0x0  }
0xb: {  	s7 =	simm.s32 $0xA000;
	s5 =	sadd.s32 $0x1EE00, s14;
	[sflag:s4] =	ssyncadd.s32 $0xFFFFB000  }
0xc: {  	[tilespmem:s7], [sflag:$0x1] =	stream.indirect.gather [hbm4b:s5+s6], $0x1, s2, s6, $0xb8;
	[tilespmem:$0x1E000] =	vst v63  }
0xd: {  	s9 =	simm.s32 $0x14000;
	s8 =	sadd.s32 $0x400, s14;
	s20 =	sadd.s32 $0xA00, s26  }
0xe: {  	[tilespmem:s9], [sflag:$0x1] =	stream.indirect.gather [hbm4b:s8+s6], $0x1, s2, s6, $0xb8;
	[tilespmem:$0x1E000] =	vst v63  }
0xf: {  	s10 =	sadd.s32 s25, s20  }
0x10: {  	[tilespmem:s6], [sflag:$0x5] =	stream.linear.gather [hbm4b:s10+s2], $0x5000, $0x38;
	[tilespmem:$0x1E000] =	vst v63  }
0x11: {  	_ =	swait.ge [sflag:s4], $0x5000  }
0x12: {  	[sflag:s4] =	ssyncset.done $0x0  }
0x13: {  	s11 =	simm.s32 $0x1;
	[sflag:s4] =	ssyncadd.s32 $0xFFFFB000  }
0x14: {  	_ =	swait.ge [sflag:s11], $0x5000  }
0x15: {  	[sflag:s11] =	ssyncset.done $0x0  }
0x16: {  	[sflag:s11] =	ssyncadd.s32 $0xFFFFB000  }
0x17: {  	_ =	swait.ge [sflag:s11], $0x5000  }
0x18: {  	[sflag:s11] =	ssyncset.done $0x0  }
0x19: {  	s12 =	simm.s32 $0xF000;
	[sflag:s11] =	ssyncadd.s32 $0xFFFFB000  }
0x1a: {  	[tilespmem:s12], [sflag:$0x2] =	stream.indirect.gather [hbm4b:s5+s6], $0x1, s6, s6, $0xb8;
	[tilespmem:$0x1E000] =	vst v63  }
0x1b: {  	s13 =	simm.s32 $0x19000;
	s29 =	sadd.s32 $0xA1800, s14  }
0x1c: {  	[tilespmem:s13], [sflag:$0x2] =	stream.indirect.gather [hbm4b:s8+s6], $0x1, s6, s6, $0xb8;
	[tilespmem:$0x1E000] =	vst v63  }
0x1d: {  	s30 =	sadd.s32 $0x3D800, s14;
	s14 =	sadd.s32 s29, s26  }
0x1e: {  	[hbm4b:s14+s2] =	stream.linear.scatter [tilespmem:s7], [sflag:$0x3], $0x5000, $0x38;
	[tilespmem:$0x1E000] =	vst v63  }
0x1f: {  	s15 =	sadd.s32 s30, s26;
	s24 =	sadd.s32 $0x1400, s26  }
0x20: {  	[hbm4b:s15+s2] =	stream.linear.scatter [tilespmem:s9], [sflag:$0x3], $0x5000, $0x38;
	[tilespmem:$0x1E000] =	vst v63  }
0x21: {  	s16 =	sadd.s32 s25, s24  }
0x22: {  	[tilespmem:s2], [sflag:$0x5] =	stream.linear.gather [hbm4b:s16+s2], $0x5000, $0x38;
	[tilespmem:$0x1E000] =	vst v63  }
0x23: {  	_ =	swait.ge [sflag:s4], $0x5000  }
0x24: {  	[sflag:s4] =	ssyncset.done $0x0  }
0x25: {  	s17 =	simm.s32 $0x3;
	[sflag:s4] =	ssyncadd.s32 $0xFFFFB000  }
0x26: {  	_ =	swait.ge [sflag:s17], $0x5000  }
0x27: {  	[sflag:s17] =	ssyncset.done $0x0  }
0x28: {  	[sflag:s17] =	ssyncadd.s32 $0xFFFFB000  }
0x29: {  	_ =	swait.ge [sflag:s17], $0x5000  }
0x2a: {  	[sflag:s17] =	ssyncset.done $0x0  }
0x2b: {  	s18 =	simm.s32 $0x2;
	[sflag:s17] =	ssyncadd.s32 $0xFFFFB000  }
0x2c: {  	_ =	swait.ge [sflag:s18], $0x5000  }
0x2d: {  	[sflag:s18] =	ssyncset.done $0x0  }
0x2e: {  	[sflag:s18] =	ssyncadd.s32 $0xFFFFB000  }
0x2f: {  	_ =	swait.ge [sflag:s18], $0x5000  }
0x30: {  	[sflag:s18] =	ssyncset.done $0x0  }
0x31: {  	[sflag:s18] =	ssyncadd.s32 $0xFFFFB000  }
0x32: {  	[tilespmem:s7], [sflag:$0x1] =	stream.indirect.gather [hbm4b:s5+s6], $0x1, s2, s6, $0xb8;
	[tilespmem:$0x1E000] =	vst v63  }
0x33: {  	_ = 	snop  }
0x34: {  	[tilespmem:s9], [sflag:$0x1] =	stream.indirect.gather [hbm4b:s8+s6], $0x1, s2, s6, $0xb8;
	[tilespmem:$0x1E000] =	vst v63  }
0x35: {  	s19 =	sadd.s32 s29, s20  }
0x36: {  	[hbm4b:s19+s2] =	stream.linear.scatter [tilespmem:s12], [sflag:$0x4], $0x5000, $0x38;
	[tilespmem:$0x1E000] =	vst v63  }
0x37: {  	s28 =	sadd.s32 $0x1E00, s26;
	s20 =	sadd.s32 s30, s20  }
0x38: {  	[hbm4b:s20+s2] =	stream.linear.scatter [tilespmem:s13], [sflag:$0x4], $0x5000, $0x38;
	[tilespmem:$0x1E000] =	vst v63  }
0x39: {  	s21 =	sadd.s32 s25, s28  }
0x3a: {  	[tilespmem:s6], [sflag:$0x5] =	stream.linear.gather [hbm4b:s21+s2], $0x5000, $0x38;
	[tilespmem:$0x1E000] =	vst v63  }
0x3b: {  	_ =	swait.ge [sflag:s4], $0x5000  }
0x3c: {  	[sflag:s4] =	ssyncset.done $0x0  }
0x3d: {  	s22 =	simm.s32 $0x4;
	[sflag:s4] =	ssyncadd.s32 $0xFFFFB000  }
0x3e: {  	_ =	swait.ge [sflag:s22], $0x5000  }
0x3f: {  	[sflag:s22] =	ssyncset.done $0x0  }
0x40: {  	[sflag:s22] =	ssyncadd.s32 $0xFFFFB000  }
0x41: {  	_ =	swait.ge [sflag:s22], $0x5000  }
0x42: {  	[sflag:s22] =	ssyncset.done $0x0  }
0x43: {  	[sflag:s22] =	ssyncadd.s32 $0xFFFFB000  }
0x44: {  	_ =	swait.ge [sflag:s11], $0x5000  }
0x45: {  	[sflag:s11] =	ssyncset.done $0x0  }
0x46: {  	[sflag:s11] =	ssyncadd.s32 $0xFFFFB000  }
0x47: {  	_ =	swait.ge [sflag:s11], $0x5000  }
0x48: {  	[sflag:s11] =	ssyncset.done $0x0  }
0x49: {  	[sflag:s11] =	ssyncadd.s32 $0xFFFFB000  }
0x4a: {  	[tilespmem:s12], [sflag:$0x2] =	stream.indirect.gather [hbm4b:s5+s6], $0x1, s6, s6, $0xb8;
	[tilespmem:$0x1E000] =	vst v63  }
0x4b: {  	_ = 	snop  }
0x4c: {  	[tilespmem:s13], [sflag:$0x2] =	stream.indirect.gather [hbm4b:s8+s6], $0x1, s6, s6, $0xb8;
	[tilespmem:$0x1E000] =	vst v63  }
0x4d: {  	s23 =	sadd.s32 s29, s24  }
0x4e: {  	[hbm4b:s23+s2] =	stream.linear.scatter [tilespmem:s7], [sflag:$0x3], $0x5000, $0x38;
	[tilespmem:$0x1E000] =	vst v63  }
0x4f: {  	s1 =	sadd.s32 $0x2800, s26;
	s24 =	sadd.s32 s30, s24  }
0x50: {  	[hbm4b:s24+s2] =	stream.linear.scatter [tilespmem:s9], [sflag:$0x3], $0x5000, $0x38;
	[tilespmem:$0x1E000] =	vst v63  }
0x51: {  	s25 =	sadd.s32 s25, s1  }
0x52: {  	[tilespmem:s2], [sflag:$0x5] =	stream.linear.gather [hbm4b:s25+s2], $0x5000, $0x38;
	[tilespmem:$0x1E000] =	vst v63  }
0x53: {  	_ =	swait.ge [sflag:s4], $0x5000  }
0x54: {  	[sflag:s4] =	ssyncset.done $0x0  }
0x55: {  	[sflag:s4] =	ssyncadd.s32 $0xFFFFB000  }
0x56: {  	_ =	swait.ge [sflag:s17], $0x5000  }
0x57: {  	[sflag:s17] =	ssyncset.done $0x0  }
0x58: {  	[sflag:s17] =	ssyncadd.s32 $0xFFFFB000  }
0x59: {  	_ =	swait.ge [sflag:s17], $0x5000  }
0x5a: {  	[sflag:s17] =	ssyncset.done $0x0  }
0x5b: {  	[sflag:s17] =	ssyncadd.s32 $0xFFFFB000  }
0x5c: {  	_ =	swait.ge [sflag:s18], $0x5000  }
0x5d: {  	[sflag:s18] =	ssyncset.done $0x0  }
0x5e: {  	[sflag:s18] =	ssyncadd.s32 $0xFFFFB000  }
0x5f: {  	_ =	swait.ge [sflag:s18], $0x5000  }
0x60: {  	[sflag:s18] =	ssyncset.done $0x0  }
0x61: {  	[sflag:s18] =	ssyncadd.s32 $0xFFFFB000  }
0x62: {  	[tilespmem:s7], [sflag:$0x1] =	stream.indirect.gather [hbm4b:s5+s6], $0x1, s2, s6, $0xb8;
	[tilespmem:$0x1E000] =	vst v63  }
0x63: {  	_ = 	snop  }
0x64: {  	[tilespmem:s9], [sflag:$0x1] =	stream.indirect.gather [hbm4b:s8+s6], $0x1, s2, s6, $0xb8;
	[tilespmem:$0x1E000] =	vst v63  }
0x65: {  	s26 =	sadd.s32 s29, s28  }
0x66: {  	[hbm4b:s26+s2] =	stream.linear.scatter [tilespmem:s12], [sflag:$0x4], $0x5000, $0x38;
	[tilespmem:$0x1E000] =	vst v63  }
0x67: {  	s28 =	sadd.s32 s30, s28  }
0x68: {  	[hbm4b:s28+s2] =	stream.linear.scatter [tilespmem:s13], [sflag:$0x4], $0x5000, $0x38;
	[tilespmem:$0x1E000] =	vst v63  }
0x69: {  	_ =	swait.ge [sflag:s22], $0x5000  }
0x6a: {  	[sflag:s22] =	ssyncset.done $0x0  }
0x6b: {  	[sflag:s22] =	ssyncadd.s32 $0xFFFFB000  }
0x6c: {  	_ =	swait.ge [sflag:s22], $0x5000  }
0x6d: {  	[sflag:s22] =	ssyncset.done $0x0  }
0x6e: {  	[sflag:s22] =	ssyncadd.s32 $0xFFFFB000  }
0x6f: {  	_ =	swait.ge [sflag:s11], $0x5000  }
0x70: {  	s29 =	sadd.s32 s29, s1;
	[sflag:s11] =	ssyncset.done $0x0  }
0x71: {  	s30 =	sadd.s32 s30, s1;
	s1 =	ssub.s32 $0x2, s31;
	[sflag:s11] =	ssyncadd.s32 $0xFFFFB000  }
0x72: {  	s31 =	sshrl.u32 s1, $0x1;
	_ =	swait.ge [sflag:s11], $0x5000  }
0x73: {  	s1 =	ssub.s32 s1, s31;
	[sflag:s11] =	ssyncset.done $0x0  }
0x74: {  	s1 =	smax.u32 s1, $0x1;
	[sflag:s11] =	ssyncadd.s32 $0xFFFFB000  }
0x75: {  	[hbm4b:s29+s2] =	stream.linear.scatter [tilespmem:s7], [sflag:$0x3], $0x5000, $0x38;
	[tilespmem:$0x1E000] =	vst v63  }
0x76: {  	p0 =	sne.s32 s1, $0x1  }
0x77: {  	[hbm4b:s30+s2] =	stream.linear.scatter [tilespmem:s9], [sflag:$0x3], $0x5000, $0x38;
	[tilespmem:$0x1E000] =	vst v63  }
.Ltmp0:
0x78: {  	_ =	swait.ge [sflag:s17], $0x5000;
	(pc) =	sbr.rel @!p0 .LBB2_2-.Ltmp0, $4  }
0x79: {  	[sflag:s17] =	ssyncset.done $0x0  }
0x7a: {  	[sflag:s17] =	ssyncadd.s32 $0xFFFFB000  }
0x7b: {  	_ =	swait.ge [sflag:s17], $0x5000  }
0x7c: {  	s31 =	sadd.s32 $0xFFFFFFFF, s1;
	[sflag:s17] =	ssyncset.done $0x0  }
.LBB2_1:
0x7d: {  	p0 =	sne.s32 s31, $0x1;
	s31 =	sadd.s32 $0xFFFFFFFF, s31;
	[sflag:s17] =	ssyncadd.s32 $0xFFFFB000  }
0x7e: {  	[tilespmem:s2], [sflag:$0x5] =	stream.linear.gather [hbm4b:s3+s2], $0x5000, $0x38;
	[tilespmem:$0x1E000] =	vst v63  }
0x7f: {  	_ =	swait.ge [sflag:s4], $0x5000  }
0x80: {  	[sflag:s4] =	ssyncset.done $0x0  }
0x81: {  	[sflag:s4] =	ssyncadd.s32 $0xFFFFB000  }
0x82: {  	[tilespmem:s7], [sflag:$0x1] =	stream.indirect.gather [hbm4b:s5+s6], $0x1, s2, s6, $0xb8;
	[tilespmem:$0x1E000] =	vst v63  }
0x83: {  	_ = 	snop  }
0x84: {  	[tilespmem:s9], [sflag:$0x1] =	stream.indirect.gather [hbm4b:s8+s6], $0x1, s2, s6, $0xb8;
	[tilespmem:$0x1E000] =	vst v63  }
0x85: {  	_ = 	snop  }
0x86: {  	[tilespmem:s6], [sflag:$0x5] =	stream.linear.gather [hbm4b:s10+s2], $0x5000, $0x38;
	[tilespmem:$0x1E000] =	vst v63  }
0x87: {  	_ =	swait.ge [sflag:s4], $0x5000  }
0x88: {  	[sflag:s4] =	ssyncset.done $0x0  }
0x89: {  	[sflag:s4] =	ssyncadd.s32 $0xFFFFB000  }
0x8a: {  	_ =	swait.ge [sflag:s11], $0x5000  }
0x8b: {  	[sflag:s11] =	ssyncset.done $0x0  }
0x8c: {  	[sflag:s11] =	ssyncadd.s32 $0xFFFFB000  }
0x8d: {  	_ =	swait.ge [sflag:s11], $0x5000  }
0x8e: {  	[sflag:s11] =	ssyncset.done $0x0  }
0x8f: {  	[sflag:s11] =	ssyncadd.s32 $0xFFFFB000  }
0x90: {  	[tilespmem:s12], [sflag:$0x2] =	stream.indirect.gather [hbm4b:s5+s6], $0x1, s6, s6, $0xb8;
	[tilespmem:$0x1E000] =	vst v63  }
0x91: {  	_ = 	snop  }
0x92: {  	[tilespmem:s13], [sflag:$0x2] =	stream.indirect.gather [hbm4b:s8+s6], $0x1, s6, s6, $0xb8;
	[tilespmem:$0x1E000] =	vst v63  }
0x93: {  	_ = 	snop  }
0x94: {  	[hbm4b:s14+s2] =	stream.linear.scatter [tilespmem:s7], [sflag:$0x3], $0x5000, $0x38;
	[tilespmem:$0x1E000] =	vst v63  }
0x95: {  	_ = 	snop  }
0x96: {  	[hbm4b:s15+s2] =	stream.linear.scatter [tilespmem:s9], [sflag:$0x3], $0x5000, $0x38;
	[tilespmem:$0x1E000] =	vst v63  }
0x97: {  	_ = 	snop  }
0x98: {  	[tilespmem:s2], [sflag:$0x5] =	stream.linear.gather [hbm4b:s16+s2], $0x5000, $0x38;
	[tilespmem:$0x1E000] =	vst v63  }
0x99: {  	_ =	swait.ge [sflag:s4], $0x5000  }
0x9a: {  	[sflag:s4] =	ssyncset.done $0x0  }
0x9b: {  	[sflag:s4] =	ssyncadd.s32 $0xFFFFB000  }
0x9c: {  	_ =	swait.ge [sflag:s17], $0x5000  }
0x9d: {  	[sflag:s17] =	ssyncset.done $0x0  }
0x9e: {  	[sflag:s17] =	ssyncadd.s32 $0xFFFFB000  }
0x9f: {  	_ =	swait.ge [sflag:s17], $0x5000  }
0xa0: {  	[sflag:s17] =	ssyncset.done $0x0  }
0xa1: {  	[sflag:s17] =	ssyncadd.s32 $0xFFFFB000  }
0xa2: {  	_ =	swait.ge [sflag:s18], $0x5000  }
0xa3: {  	[sflag:s18] =	ssyncset.done $0x0  }
0xa4: {  	[sflag:s18] =	ssyncadd.s32 $0xFFFFB000  }
0xa5: {  	_ =	swait.ge [sflag:s18], $0x5000  }
0xa6: {  	[sflag:s18] =	ssyncset.done $0x0  }
0xa7: {  	[sflag:s18] =	ssyncadd.s32 $0xFFFFB000  }
0xa8: {  	[tilespmem:s7], [sflag:$0x1] =	stream.indirect.gather [hbm4b:s5+s6], $0x1, s2, s6, $0xb8;
	[tilespmem:$0x1E000] =	vst v63  }
0xa9: {  	_ = 	snop  }
0xaa: {  	[tilespmem:s9], [sflag:$0x1] =	stream.indirect.gather [hbm4b:s8+s6], $0x1, s2, s6, $0xb8;
	[tilespmem:$0x1E000] =	vst v63  }
0xab: {  	_ = 	snop  }
0xac: {  	[hbm4b:s19+s2] =	stream.linear.scatter [tilespmem:s12], [sflag:$0x4], $0x5000, $0x38;
	[tilespmem:$0x1E000] =	vst v63  }
0xad: {  	_ = 	snop  }
0xae: {  	[hbm4b:s20+s2] =	stream.linear.scatter [tilespmem:s13], [sflag:$0x4], $0x5000, $0x38;
	[tilespmem:$0x1E000] =	vst v63  }
0xaf: {  	_ = 	snop  }
0xb0: {  	[tilespmem:s6], [sflag:$0x5] =	stream.linear.gather [hbm4b:s21+s2], $0x5000, $0x38;
	[tilespmem:$0x1E000] =	vst v63  }
0xb1: {  	_ =	swait.ge [sflag:s4], $0x5000  }
0xb2: {  	[sflag:s4] =	ssyncset.done $0x0  }
0xb3: {  	[sflag:s4] =	ssyncadd.s32 $0xFFFFB000  }
0xb4: {  	_ =	swait.ge [sflag:s22], $0x5000  }
0xb5: {  	[sflag:s22] =	ssyncset.done $0x0  }
0xb6: {  	[sflag:s22] =	ssyncadd.s32 $0xFFFFB000  }
0xb7: {  	_ =	swait.ge [sflag:s22], $0x5000  }
0xb8: {  	[sflag:s22] =	ssyncset.done $0x0  }
0xb9: {  	[sflag:s22] =	ssyncadd.s32 $0xFFFFB000  }
0xba: {  	_ =	swait.ge [sflag:s11], $0x5000  }
0xbb: {  	[sflag:s11] =	ssyncset.done $0x0  }
0xbc: {  	[sflag:s11] =	ssyncadd.s32 $0xFFFFB000  }
0xbd: {  	_ =	swait.ge [sflag:s11], $0x5000  }
0xbe: {  	[sflag:s11] =	ssyncset.done $0x0  }
0xbf: {  	[sflag:s11] =	ssyncadd.s32 $0xFFFFB000  }
0xc0: {  	[tilespmem:s12], [sflag:$0x2] =	stream.indirect.gather [hbm4b:s5+s6], $0x1, s6, s6, $0xb8;
	[tilespmem:$0x1E000] =	vst v63  }
0xc1: {  	_ = 	snop  }
0xc2: {  	[tilespmem:s13], [sflag:$0x2] =	stream.indirect.gather [hbm4b:s8+s6], $0x1, s6, s6, $0xb8;
	[tilespmem:$0x1E000] =	vst v63  }
0xc3: {  	_ = 	snop  }
0xc4: {  	[hbm4b:s23+s2] =	stream.linear.scatter [tilespmem:s7], [sflag:$0x3], $0x5000, $0x38;
	[tilespmem:$0x1E000] =	vst v63  }
0xc5: {  	_ = 	snop  }
0xc6: {  	[hbm4b:s24+s2] =	stream.linear.scatter [tilespmem:s9], [sflag:$0x3], $0x5000, $0x38;
	[tilespmem:$0x1E000] =	vst v63  }
0xc7: {  	_ = 	snop  }
0xc8: {  	[tilespmem:s2], [sflag:$0x5] =	stream.linear.gather [hbm4b:s25+s2], $0x5000, $0x38;
	[tilespmem:$0x1E000] =	vst v63  }
0xc9: {  	_ =	swait.ge [sflag:s4], $0x5000  }
0xca: {  	[sflag:s4] =	ssyncset.done $0x0  }
0xcb: {  	[sflag:s4] =	ssyncadd.s32 $0xFFFFB000  }
0xcc: {  	_ =	swait.ge [sflag:s17], $0x5000  }
0xcd: {  	[sflag:s17] =	ssyncset.done $0x0  }
0xce: {  	[sflag:s17] =	ssyncadd.s32 $0xFFFFB000  }
0xcf: {  	_ =	swait.ge [sflag:s17], $0x5000  }
0xd0: {  	[sflag:s17] =	ssyncset.done $0x0  }
0xd1: {  	[sflag:s17] =	ssyncadd.s32 $0xFFFFB000  }
0xd2: {  	_ =	swait.ge [sflag:s18], $0x5000  }
0xd3: {  	[sflag:s18] =	ssyncset.done $0x0  }
0xd4: {  	[sflag:s18] =	ssyncadd.s32 $0xFFFFB000  }
0xd5: {  	_ =	swait.ge [sflag:s18], $0x5000  }
0xd6: {  	[sflag:s18] =	ssyncset.done $0x0  }
0xd7: {  	[sflag:s18] =	ssyncadd.s32 $0xFFFFB000  }
0xd8: {  	[tilespmem:s7], [sflag:$0x1] =	stream.indirect.gather [hbm4b:s5+s6], $0x1, s2, s6, $0xb8;
	[tilespmem:$0x1E000] =	vst v63  }
0xd9: {  	_ = 	snop  }
0xda: {  	[tilespmem:s9], [sflag:$0x1] =	stream.indirect.gather [hbm4b:s8+s6], $0x1, s2, s6, $0xb8;
	[tilespmem:$0x1E000] =	vst v63  }
0xdb: {  	_ = 	snop  }
0xdc: {  	[hbm4b:s26+s2] =	stream.linear.scatter [tilespmem:s12], [sflag:$0x4], $0x5000, $0x38;
	[tilespmem:$0x1E000] =	vst v63  }
0xdd: {  	_ = 	snop  }
0xde: {  	[hbm4b:s28+s2] =	stream.linear.scatter [tilespmem:s13], [sflag:$0x4], $0x5000, $0x38;
	[tilespmem:$0x1E000] =	vst v63  }
0xdf: {  	_ =	swait.ge [sflag:s22], $0x5000  }
0xe0: {  	[sflag:s22] =	ssyncset.done $0x0  }
0xe1: {  	[sflag:s22] =	ssyncadd.s32 $0xFFFFB000  }
0xe2: {  	_ =	swait.ge [sflag:s22], $0x5000  }
0xe3: {  	[sflag:s22] =	ssyncset.done $0x0  }
0xe4: {  	[sflag:s22] =	ssyncadd.s32 $0xFFFFB000  }
0xe5: {  	_ =	swait.ge [sflag:s11], $0x5000  }
0xe6: {  	[sflag:s11] =	ssyncset.done $0x0  }
0xe7: {  	[sflag:s11] =	ssyncadd.s32 $0xFFFFB000  }
0xe8: {  	_ =	swait.ge [sflag:s11], $0x5000  }
0xe9: {  	[sflag:s11] =	ssyncset.done $0x0  }
0xea: {  	[sflag:s11] =	ssyncadd.s32 $0xFFFFB000  }
0xeb: {  	[hbm4b:s29+s2] =	stream.linear.scatter [tilespmem:s7], [sflag:$0x3], $0x5000, $0x38;
	[tilespmem:$0x1E000] =	vst v63  }
0xec: {  	_ = 	snop  }
0xed: {  	[hbm4b:s30+s2] =	stream.linear.scatter [tilespmem:s9], [sflag:$0x3], $0x5000, $0x38;
	[tilespmem:$0x1E000] =	vst v63  }
.Ltmp1:
0xee: {  	_ =	swait.ge [sflag:s17], $0x5000;
	(pc) =	sbr.rel @p0 .LBB2_1-.Ltmp1, $4  }
0xef: {  	[sflag:s17] =	ssyncset.done $0x0  }
0xf0: {  	[sflag:s17] =	ssyncadd.s32 $0xFFFFB000  }
0xf1: {  	_ =	swait.ge [sflag:s17], $0x5000  }
0xf2: {  	[sflag:s17] =	ssyncset.done $0x0  }
.LBB2_2:
0xf3: {  	[sflag:s17] =	ssyncadd.s32 $0xFFFFB000  }
0xf4: {  	_ =	sfence.sel $0x180000  }
0xf5: {  	[bflag:$0x0] =	sbarrier.arrive $0xFFFF  }
0xf6: {  	_ =	strace $0x90000047  }
0xf7: {  	[bflag:$0x2] =	sbarrier.arrive $0xFFFF  }
0xf8: {  	p0 =	sne.s32 s0, $0x0;
	s0 =	rddreg [dreg:$0x2]  }
0xf9: {  	s0 =	sadd.s32 @!p0 $0x100000, s0  }
0xfa: {  	[sflag:s0] =	ssyncadd.tile.s32 @!p0 $0x1;
	_ =	shalt  }
.Lfunc_end2:
_tile_overlayer_lowered:
.L_overlay_start_2:
0xfb: {  	(tag) =	ssettag $0x2  }
0xfc: {  	s0 =	rddreg [dreg:$0x0];
	s2 =	stileid.u32  }
0xfd: {  	s1 =	rddreg [dreg:$0x1];
	p0 =	sne.s32 s2, $0x0  }
0xfe: {  	s3 =	rddreg [dreg:$0x2];
	[bflag:$0x3] =	sbarrier.arrive $0xFFFF;
	s2 =	simm.s32 @!p0 $0x1C05  }
0xff: {  	[timem:s3], [sflag:s2] =	dma.local @!p0 [hbm:s0], s1  }
0x100: {  	s0 =	simm.s32 @!p0 $0x5  }
0x101: {  	_ =	swait.ge @!p0 [sflag:s0], s1  }
0x102: {  	s1 =	ssub.s32 @!p0 $0x0, s1;
	[sflag:s0] =	ssyncset.done @!p0 $0x0  }
0x103: {  	[sflag:s0] =	ssyncadd.s32 @!p0 s1  }
0x104: {  	[bflag:$0x3] =	sbarrier.arrive $0xFFFF  }
0x105: {  	_ =	shalt  }

</sc_bundles>
